<compile_context>
chip_gen: v7x
topology: tpu7x:2x2x1
jax: 0.10.2.dev20260603
libtpu: 0.0.44.dev20260713+nightly
codegen_flags: <defaults>
</compile_context>

<pallas_src>
import jax
import jax.numpy as jnp
from jax import lax
from jax.experimental import pallas as pl
from jax.experimental.pallas import tpu as pltpu
from jax.experimental.pallas import tpu_sc as plsc

_B = 128
_N = 32768
_K = 64
_TOL = 1e-10
_NEG_INF = float("-inf")
_LANES = 16

_info = plsc.get_sparse_core_info()
_NC = _info.num_cores
_NS = _info.num_subcores
_NW = _NC * _NS
_RPW = _B // _NW
_SEG = 256
_NSEG = _N // _SEG
_VPS = _SEG // _LANES
_L1V = _NSEG // _LANES
_WPAD = 128


def _sc_body(concat_hbm, w_hbm, out_hbm, row_v, l1_v, w_v):
    cid = lax.axis_index("c")
    sid = lax.axis_index("s")
    wid = sid * _NC + cid

    lane = lax.broadcasted_iota(jnp.int32, (_LANES,), 0)

    def do_row(i, res_vec):
        row = wid * _RPW + i
        pltpu.sync_copy(concat_hbm.at[pl.ds(row * _N, _N)], row_v)
        pltpu.sync_copy(w_hbm.at[pl.ds(row * _K, _K)],
                        w_v.at[pl.ds(0, _K)])

        def build_group(g, _):
            def build_seg(t, vec):
                base = (g * _LANES + t) * _SEG
                m = row_v[pl.ds(base, _LANES)]
                for u in range(1, _VPS):
                    m = jnp.maximum(m, row_v[pl.ds(base + u * _LANES, _LANES)])
                return jnp.where(lane == t, jnp.max(m), vec)

            vec = lax.fori_loop(
                0, _LANES, build_seg, jnp.zeros((_LANES,), jnp.float32))
            l1_v[pl.ds(g * _LANES, _LANES)] = vec
            return 0

        lax.fori_loop(0, _L1V, build_group, 0)

        def extract_cond(carry):
            r, _ = carry
            return r < _K

        def extract_body(carry):
            r, acc = carry
            m = l1_v[pl.ds(0, _LANES)]
            for j in range(1, _L1V):
                m = jnp.maximum(m, l1_v[pl.ds(j * _LANES, _LANES)])
            gmax = jnp.max(m)
            big = jnp.full((_LANES,), _NSEG, jnp.int32)
            seg_cand = big
            for j in range(_L1V):
                mj = l1_v[pl.ds(j * _LANES, _LANES)]
                seg_cand = jnp.minimum(
                    seg_cand, jnp.where(mj == gmax, j * _LANES + lane, big))
            seg = jnp.min(seg_cand)
            base = seg * _SEG
            cnt_v = jnp.zeros((_LANES,), jnp.int32)
            nm = jnp.full((_LANES,), _NEG_INF, jnp.float32)
            for t in range(_VPS):
                v = row_v[pl.ds(base + t * _LANES, _LANES)]
                eq = v == gmax
                cnt_v = cnt_v + eq.astype(jnp.int32)
                v2 = jnp.where(eq, _NEG_INF, v)
                row_v[pl.ds(base + t * _LANES, _LANES)] = v2
                nm = jnp.maximum(nm, v2)
            gbase = (seg // _LANES) * _LANES
            lvec = l1_v[pl.ds(gbase, _LANES)]
            lvec = jnp.where(lane == seg - gbase, jnp.max(nm), lvec)
            l1_v[pl.ds(gbase, _LANES)] = lvec
            c = jnp.sum(cnt_v)
            take = jnp.minimum(c, _K - r)
            for q in range(4):
                idx = jnp.minimum(r + q * _LANES + lane, _WPAD - 1)
                wv = plsc.load_gather(w_v, [idx])
                cq = take - q * _LANES
                acc = acc + jnp.where(lane < cq, gmax * wv, 0.0)
            return r + take, acc

        _, acc = lax.while_loop(
            extract_cond, extract_body,
            (jnp.int32(0), jnp.zeros((_LANES,), jnp.float32)))
        return jnp.where(lane == i, jnp.sum(acc), res_vec)

    res_vec = lax.fori_loop(
        0, _RPW, do_row, jnp.zeros((_LANES,), jnp.float32))
    l1_v[pl.ds(0, _LANES)] = res_vec
    pltpu.sync_copy(l1_v.at[pl.ds(0, _LANES)],
                    out_hbm.at[pl.ds(wid * _LANES, _LANES)])


_sc_topk_dot = pl.kernel(
    _sc_body,
    out_type=jax.ShapeDtypeStruct((_NW * _LANES,), jnp.float32),
    mesh=plsc.VectorSubcoreMesh(core_axis_name="c", subcore_axis_name="s"),
    scratch_types=[
        pltpu.VMEM((_N,), jnp.float32),
        pltpu.VMEM((_NSEG,), jnp.float32),
        pltpu.VMEM((_WPAD,), jnp.float32),
    ],
    compiler_params=pltpu.CompilerParams(needs_layout_passes=False),
)


def _log_mean_body(p_ref, o_ref):
    p = p_ref[...]
    col = lax.broadcasted_iota(jnp.int32, (4, 128), 1)
    valid = (col % _LANES) < _RPW
    lp = jnp.where(valid, jnp.log(p + _TOL), 0.0)
    o_ref[...] = (jnp.sum(lp) / _B).reshape(1, 1)


_log_mean = pl.pallas_call(
    _log_mean_body,
    out_shape=jax.ShapeDtypeStruct((1, 1), jnp.float32),
)


def kernel(concat_output, sample_loc_prob):
    p = _sc_topk_dot(concat_output.reshape(-1), sample_loc_prob.reshape(-1))
    return _log_mean(p.reshape(4, 128))[0, 0]

# --- scband reference (transcript-rebuilt; emitter-appended) ---
"""Pipeline reference for scband-auto-encoder-33234456936688 (READ-ONLY COPY).

The authoritative reference and input builder live on the scoring server;
editing this copy changes nothing except your own understanding.
"""

import jax, jax.numpy as jnp
import numpy as np

SPARSITY_FACTOR = 64
TOLERANCE = 1e-10


def setup_inputs(seed: int = 0) -> dict:
    key = jax.random.key(seed)
    k1, k2 = jax.random.split(key)
    # concat_output: mixture coefficient probabilities (positive), shape [B, N]
    concat_output = jax.random.uniform(k1, (128, 32768), dtype=jnp.float32) + 1e-6
    # sample_loc_prob: oracle-provided sample probabilities under each selected intervention, shape [B, k]
    sample_loc_prob = jax.random.uniform(k2, (128, 64), dtype=jnp.float32)
    return {"concat_output": concat_output, "sample_loc_prob": sample_loc_prob}


def reference(concat_output, sample_loc_prob):
    # Decoder.call with sample_strategy == 'top-k':
    # select top-|sparsity| most probable interventions
    interv_loc_prob, indices = jax.lax.top_k(concat_output, SPARSITY_FACTOR)
    # _calculate_sample_likliehood: sum over selected interventions,
    # then log with tolerance, then mean over samples
    sample_prob = jnp.sum(interv_loc_prob * sample_loc_prob, axis=1)
    sample_logprob = jnp.log(sample_prob + TOLERANCE)
    all_sample_logprob = jnp.mean(sample_logprob)
    return all_sample_logprob

if __name__ == "__main__":
    import jax
    _d = setup_inputs()
    print(jax.jit(kernel)(*tuple(_d.values())))

</pallas_src>

<mosaic_0001>
#map = affine_map<(d0, d1) -> (0)>
module attributes {stable_mosaic.version = 14 : i64} {
  func.func @_sc_body(%arg0: i32, %arg1: i32, %arg2: memref<4194304xf32, #tpu.memory_space<hbm>>, %arg3: memref<8192xf32, #tpu.memory_space<hbm>>, %arg4: memref<512xf32, #tpu.memory_space<hbm>>, %arg5: memref<32768xf32, #tpu.memory_space<vmem>>, %arg6: memref<128xf32, #tpu.memory_space<vmem>>, %arg7: memref<128xf32, #tpu.memory_space<vmem>>) attributes {dimension_semantics = [#tpu.dimension_semantics<core_parallel>, #tpu.dimension_semantics<subcore_parallel>], iteration_bounds = array<i64: 2, 16>, scalar_prefetch = 0 : i64, scratch_operands = 3 : i64, tpu.core_type = #tpu.core_type<sc_vector_subcore>, window_params = [{transform_indices = #map}, {transform_indices = #map}, {transform_indices = #map}]} {
    %mul3A = arith.constant 2 : i32
    %mul3A_0 = arith.muli %arg1, %mul3A : i32
    %add3A = arith.addi %mul3A_0, %arg0 : i32
    %iota3A = tpu.iota {dimensions = array<i32: 0>} : vector<16xi32>
    %broadcast_in_dim3A = arith.constant 0.000000e+00 : f32
    %broadcast_in_dim3A_1 = vector.broadcast %broadcast_in_dim3A : f32 to vector<16xf32>
    %scan3A = arith.constant 0 : i32
    %scan3A_2 = arith.constant 4 : i32
    %scan3A_3 = arith.addi %scan3A, %scan3A_2 : i32
    %scan3A_4 = arith.constant 1 : i32
    %scan3A_5 = scf.for %scan3A_10 = %scan3A to %scan3A_3 step %scan3A_4 iter_args(%scan3A_11 = %broadcast_in_dim3A_1) -> (vector<16xf32>)  : i32 {
      %mul3A_12 = arith.constant 4 : i32
      %mul3A_13 = arith.muli %add3A, %mul3A_12 : i32
      %add3A_14 = arith.addi %mul3A_13, %scan3A_10 : i32
      %mul3A_15 = arith.constant 32768 : i32
      %mul3A_16 = arith.muli %add3A_14, %mul3A_15 : i32
      "tpu.region"() ({
        %run_scoped3A = tpu.sem_alloc : memref<!tpu.dma_semaphore, #tpu.memory_space<semaphore_mem>>
        %dma_start3A = tpu.memref_slice %arg2[%mul3A_16] : memref<4194304xf32, #tpu.memory_space<hbm>> -> memref<32768xf32, #tpu.memory_space<hbm>>
        %dma_start3A_34 = tpu.memref_slice %arg2[%mul3A_16] : memref<4194304xf32, #tpu.memory_space<hbm>> -> memref<32768xf32, #tpu.memory_space<hbm>>
        tpu.enqueue_dma source(%dma_start3A_34 : memref<32768xf32, #tpu.memory_space<hbm>>) target(%arg5 : memref<32768xf32, #tpu.memory_space<vmem>>) target_semaphore(%run_scoped3A : memref<!tpu.dma_semaphore, #tpu.memory_space<semaphore_mem>>)
        %dma_wait3A = tpu.memref_slice %arg2[%mul3A_16] : memref<4194304xf32, #tpu.memory_space<hbm>> -> memref<32768xf32, #tpu.memory_space<hbm>>
        %dma_wait3A_35 = tpu.memref_slice %arg2[%mul3A_16] : memref<4194304xf32, #tpu.memory_space<hbm>> -> memref<32768xf32, #tpu.memory_space<hbm>>
        tpu.wait_dma2 semaphore(%run_scoped3A : memref<!tpu.dma_semaphore, #tpu.memory_space<semaphore_mem>>) src(%dma_wait3A_35 : memref<32768xf32, #tpu.memory_space<hbm>>) dst(%arg5 : memref<32768xf32, #tpu.memory_space<vmem>>)
        tpu.yield
      }) : () -> ()
      %mul3A_17 = arith.constant 64 : i32
      %mul3A_18 = arith.muli %add3A_14, %mul3A_17 : i32
      "tpu.region"() ({
        %run_scoped3A = tpu.sem_alloc : memref<!tpu.dma_semaphore, #tpu.memory_space<semaphore_mem>>
        %dma_start3A = arith.constant 0 : i32
        %dma_start3A_34 = tpu.memref_slice %arg7[%dma_start3A] : memref<128xf32, #tpu.memory_space<vmem>> -> memref<64xf32, #tpu.memory_space<vmem>>
        %dma_start3A_35 = tpu.memref_slice %arg3[%mul3A_18] : memref<8192xf32, #tpu.memory_space<hbm>> -> memref<64xf32, #tpu.memory_space<hbm>>
        %dma_start3A_36 = arith.constant 0 : i32
        %dma_start3A_37 = tpu.memref_slice %arg7[%dma_start3A_36] : memref<128xf32, #tpu.memory_space<vmem>> -> memref<64xf32, #tpu.memory_space<vmem>>
        %dma_start3A_38 = tpu.memref_slice %arg3[%mul3A_18] : memref<8192xf32, #tpu.memory_space<hbm>> -> memref<64xf32, #tpu.memory_space<hbm>>
        tpu.enqueue_dma source(%dma_start3A_38 : memref<64xf32, #tpu.memory_space<hbm>>) target(%dma_start3A_37 : memref<64xf32, #tpu.memory_space<vmem>>) target_semaphore(%run_scoped3A : memref<!tpu.dma_semaphore, #tpu.memory_space<semaphore_mem>>)
        %dma_wait3A = arith.constant 0 : i32
        %dma_wait3A_39 = tpu.memref_slice %arg7[%dma_wait3A] : memref<128xf32, #tpu.memory_space<vmem>> -> memref<64xf32, #tpu.memory_space<vmem>>
        %dma_wait3A_40 = tpu.memref_slice %arg3[%mul3A_18] : memref<8192xf32, #tpu.memory_space<hbm>> -> memref<64xf32, #tpu.memory_space<hbm>>
        %dma_wait3A_41 = arith.constant 0 : i32
        %dma_wait3A_42 = tpu.memref_slice %arg7[%dma_wait3A_41] : memref<128xf32, #tpu.memory_space<vmem>> -> memref<64xf32, #tpu.memory_space<vmem>>
        %dma_wait3A_43 = tpu.memref_slice %arg3[%mul3A_18] : memref<8192xf32, #tpu.memory_space<hbm>> -> memref<64xf32, #tpu.memory_space<hbm>>
        tpu.wait_dma2 semaphore(%run_scoped3A : memref<!tpu.dma_semaphore, #tpu.memory_space<semaphore_mem>>) src(%dma_wait3A_43 : memref<64xf32, #tpu.memory_space<hbm>>) dst(%dma_wait3A_42 : memref<64xf32, #tpu.memory_space<vmem>>)
        tpu.yield
      }) : () -> ()
      %scan3A_19 = arith.constant 0 : i32
      %scan3A_20 = arith.constant 0 : i32
      %scan3A_21 = arith.constant 8 : i32
      %scan3A_22 = arith.addi %scan3A_20, %scan3A_21 : i32
      %scan3A_23 = arith.constant 1 : i32
      %scan3A_24 = scf.for %scan3A_34 = %scan3A_20 to %scan3A_22 step %scan3A_23 iter_args(%scan3A_35 = %scan3A_19) -> (i32)  : i32 {
        %broadcast_in_dim3A_36 = arith.constant 0.000000e+00 : f32
        %broadcast_in_dim3A_37 = vector.broadcast %broadcast_in_dim3A_36 : f32 to vector<16xf32>
        %scan3A_38 = arith.constant 0 : i32
        %scan3A_39 = arith.constant 16 : i32
        %scan3A_40 = arith.addi %scan3A_38, %scan3A_39 : i32
        %scan3A_41 = arith.constant 1 : i32
        %scan3A_42 = scf.for %scan3A_49 = %scan3A_38 to %scan3A_40 step %scan3A_41 iter_args(%scan3A_50 = %broadcast_in_dim3A_37) -> (vector<16xf32>)  : i32 {
          %mul3A_51 = arith.constant 16 : i32
          %mul3A_52 = arith.muli %scan3A_34, %mul3A_51 : i32
          %add3A_53 = arith.addi %mul3A_52, %scan3A_49 : i32
          %mul3A_54 = arith.constant 256 : i32
          %mul3A_55 = arith.muli %add3A_53, %mul3A_54 : i32
          %get3A = arith.index_cast %mul3A_55 : i32 to index
          %get3A_56 = tpu.vector_load %arg5[%get3A] {strides = array<i32>} : memref<32768xf32, #tpu.memory_space<vmem>>, vector<16xf32>,
          %add3A_57 = arith.constant 16 : i32
          %add3A_58 = arith.addi %mul3A_55, %add3A_57 : i32
          %get3A_59 = arith.index_cast %add3A_58 : i32 to index
          %get3A_60 = tpu.vector_load %arg5[%get3A_59] {strides = array<i32>} : memref<32768xf32, #tpu.memory_space<vmem>>, vector<16xf32>,
          %max3A = arith.maximumf %get3A_56, %get3A_60 : vector<16xf32>
          %add3A_61 = arith.constant 32 : i32
          %add3A_62 = arith.addi %mul3A_55, %add3A_61 : i32
          %get3A_63 = arith.index_cast %add3A_62 : i32 to index
          %get3A_64 = tpu.vector_load %arg5[%get3A_63] {strides = array<i32>} : memref<32768xf32, #tpu.memory_space<vmem>>, vector<16xf32>,
          %max3A_65 = arith.maximumf %max3A, %get3A_64 : vector<16xf32>
          %add3A_66 = arith.constant 48 : i32
          %add3A_67 = arith.addi %mul3A_55, %add3A_66 : i32
          %get3A_68 = arith.index_cast %add3A_67 : i32 to index
          %get3A_69 = tpu.vector_load %arg5[%get3A_68] {strides = array<i32>} : memref<32768xf32, #tpu.memory_space<vmem>>, vector<16xf32>,
          %max3A_70 = arith.maximumf %max3A_65, %get3A_69 : vector<16xf32>
          %add3A_71 = arith.constant 64 : i32
          %add3A_72 = arith.addi %mul3A_55, %add3A_71 : i32
          %get3A_73 = arith.index_cast %add3A_72 : i32 to index
          %get3A_74 = tpu.vector_load %arg5[%get3A_73] {strides = array<i32>} : memref<32768xf32, #tpu.memory_space<vmem>>, vector<16xf32>,
          %max3A_75 = arith.maximumf %max3A_70, %get3A_74 : vector<16xf32>
          %add3A_76 = arith.constant 80 : i32
          %add3A_77 = arith.addi %mul3A_55, %add3A_76 : i32
          %get3A_78 = arith.index_cast %add3A_77 : i32 to index
          %get3A_79 = tpu.vector_load %arg5[%get3A_78] {strides = array<i32>} : memref<32768xf32, #tpu.memory_space<vmem>>, vector<16xf32>,
          %max3A_80 = arith.maximumf %max3A_75, %get3A_79 : vector<16xf32>
          %add3A_81 = arith.constant 96 : i32
          %add3A_82 = arith.addi %mul3A_55, %add3A_81 : i32
          %get3A_83 = arith.index_cast %add3A_82 : i32 to index
          %get3A_84 = tpu.vector_load %arg5[%get3A_83] {strides = array<i32>} : memref<32768xf32, #tpu.memory_space<vmem>>, vector<16xf32>,
          %max3A_85 = arith.maximumf %max3A_80, %get3A_84 : vector<16xf32>
          %add3A_86 = arith.constant 112 : i32
          %add3A_87 = arith.addi %mul3A_55, %add3A_86 : i32
          %get3A_88 = arith.index_cast %add3A_87 : i32 to index
          %get3A_89 = tpu.vector_load %arg5[%get3A_88] {strides = array<i32>} : memref<32768xf32, #tpu.memory_space<vmem>>, vector<16xf32>,
          %max3A_90 = arith.maximumf %max3A_85, %get3A_89 : vector<16xf32>
          %add3A_91 = arith.constant 128 : i32
          %add3A_92 = arith.addi %mul3A_55, %add3A_91 : i32
          %get3A_93 = arith.index_cast %add3A_92 : i32 to index
          %get3A_94 = tpu.vector_load %arg5[%get3A_93] {strides = array<i32>} : memref<32768xf32, #tpu.memory_space<vmem>>, vector<16xf32>,
          %max3A_95 = arith.maximumf %max3A_90, %get3A_94 : vector<16xf32>
          %add3A_96 = arith.constant 144 : i32
          %add3A_97 = arith.addi %mul3A_55, %add3A_96 : i32
          %get3A_98 = arith.index_cast %add3A_97 : i32 to index
          %get3A_99 = tpu.vector_load %arg5[%get3A_98] {strides = array<i32>} : memref<32768xf32, #tpu.memory_space<vmem>>, vector<16xf32>,
          %max3A_100 = arith.maximumf %max3A_95, %get3A_99 : vector<16xf32>
          %add3A_101 = arith.constant 160 : i32
          %add3A_102 = arith.addi %mul3A_55, %add3A_101 : i32
          %get3A_103 = arith.index_cast %add3A_102 : i32 to index
          %get3A_104 = tpu.vector_load %arg5[%get3A_103] {strides = array<i32>} : memref<32768xf32, #tpu.memory_space<vmem>>, vector<16xf32>,
          %max3A_105 = arith.maximumf %max3A_100, %get3A_104 : vector<16xf32>
          %add3A_106 = arith.constant 176 : i32
          %add3A_107 = arith.addi %mul3A_55, %add3A_106 : i32
          %get3A_108 = arith.index_cast %add3A_107 : i32 to index
          %get3A_109 = tpu.vector_load %arg5[%get3A_108] {strides = array<i32>} : memref<32768xf32, #tpu.memory_space<vmem>>, vector<16xf32>,
          %max3A_110 = arith.maximumf %max3A_105, %get3A_109 : vector<16xf32>
          %add3A_111 = arith.constant 192 : i32
          %add3A_112 = arith.addi %mul3A_55, %add3A_111 : i32
          %get3A_113 = arith.index_cast %add3A_112 : i32 to index
          %get3A_114 = tpu.vector_load %arg5[%get3A_113] {strides = array<i32>} : memref<32768xf32, #tpu.memory_space<vmem>>, vector<16xf32>,
          %max3A_115 = arith.maximumf %max3A_110, %get3A_114 : vector<16xf32>
          %add3A_116 = arith.constant 208 : i32
          %add3A_117 = arith.addi %mul3A_55, %add3A_116 : i32
          %get3A_118 = arith.index_cast %add3A_117 : i32 to index
          %get3A_119 = tpu.vector_load %arg5[%get3A_118] {strides = array<i32>} : memref<32768xf32, #tpu.memory_space<vmem>>, vector<16xf32>,
          %max3A_120 = arith.maximumf %max3A_115, %get3A_119 : vector<16xf32>
          %add3A_121 = arith.constant 224 : i32
          %add3A_122 = arith.addi %mul3A_55, %add3A_121 : i32
          %get3A_123 = arith.index_cast %add3A_122 : i32 to index
          %get3A_124 = tpu.vector_load %arg5[%get3A_123] {strides = array<i32>} : memref<32768xf32, #tpu.memory_space<vmem>>, vector<16xf32>,
          %max3A_125 = arith.maximumf %max3A_120, %get3A_124 : vector<16xf32>
          %add3A_126 = arith.constant 240 : i32
          %add3A_127 = arith.addi %mul3A_55, %add3A_126 : i32
          %get3A_128 = arith.index_cast %add3A_127 : i32 to index
          %get3A_129 = tpu.vector_load %arg5[%get3A_128] {strides = array<i32>} : memref<32768xf32, #tpu.memory_space<vmem>>, vector<16xf32>,
          %max3A_130 = arith.maximumf %max3A_125, %get3A_129 : vector<16xf32>
          %eq3A_131 = vector.broadcast %scan3A_49 : i32 to vector<16xi32>
          %eq3A_132 = arith.cmpi eq, %iota3A, %eq3A_131 : vector<16xi32>
          %reduce_max3A = arith.constant true
          %reduce_max3A_133 = vector.broadcast %reduce_max3A : i1 to vector<16xi1>
          %reduce_max3A_134 = tpu.scan <max>, %max3A_130 masked %reduce_max3A_133 : vector<16xf32>, vector<16xi1> -> vector<16xf32>
          %reduce_max3A_135 = vector.extract %reduce_max3A_134[15] : f32 from vector<16xf32>
          %broadcast_in_dim3A_136 = vector.broadcast %reduce_max3A_135 : f32 to vector<16xf32>
          %select_n3A_137 = arith.select %eq3A_132, %broadcast_in_dim3A_136, %scan3A_50 : vector<16xi1>, vector<16xf32>
          scf.yield %select_n3A_137 : vector<16xf32>
        }
        %scan3A_43 = arith.constant 16 : i32
        %mul3A_44 = arith.constant 16 : i32
        %mul3A_45 = arith.muli %scan3A_34, %mul3A_44 : i32
        %swap3A_46 = arith.index_cast %mul3A_45 : i32 to index
        %swap3A_47 = tpu.vector_load %arg6[%swap3A_46] {strides = array<i32>} : memref<128xf32, #tpu.memory_space<vmem>>, vector<16xf32>,
        tpu.vector_store %arg6[%swap3A_46], %scan3A_42 {strides = array<i32>} : memref<128xf32, #tpu.memory_space<vmem>>, vector<16xf32>,
        %scan3A_48 = arith.constant 0 : i32
        scf.yield %scan3A_48 : i32
      }
      %scan3A_25 = arith.constant 8 : i32
      %broadcast_in_dim3A_26 = arith.constant 0.000000e+00 : f32
      %broadcast_in_dim3A_27 = vector.broadcast %broadcast_in_dim3A_26 : f32 to vector<16xf32>
      %while3A = arith.constant 0 : i32
      %while3A_28:2 = scf.while (%while3A_34 = %while3A, %while3A_35 = %broadcast_in_dim3A_27) : (i32, vector<16xf32>) -> (i32, vector<16xf32>) {
        %lt3A = arith.constant 64 : i32
        %lt3A_36 = arith.cmpi slt, %while3A_34, %lt3A : i32
        scf.condition(%lt3A_36) %while3A_34, %while3A_35 : i32, vector<16xf32>
      } do {
      ^bb0(%while3A_34: i32, %while3A_35: vector<16xf32>):
        %get3A = arith.constant 0 : index
        %get3A_36 = tpu.vector_load %arg6[%get3A] {strides = array<i32>} : memref<128xf32, #tpu.memory_space<vmem>>, vector<16xf32>,
        %get3A_37 = arith.constant 16 : index
        %get3A_38 = tpu.vector_load %arg6[%get3A_37] {strides = array<i32>} : memref<128xf32, #tpu.memory_space<vmem>>, vector<16xf32>,
        %max3A = arith.maximumf %get3A_36, %get3A_38 : vector<16xf32>
        %get3A_39 = arith.constant 32 : index
        %get3A_40 = tpu.vector_load %arg6[%get3A_39] {strides = array<i32>} : memref<128xf32, #tpu.memory_space<vmem>>, vector<16xf32>,
        %max3A_41 = arith.maximumf %max3A, %get3A_40 : vector<16xf32>
        %get3A_42 = arith.constant 48 : index
        %get3A_43 = tpu.vector_load %arg6[%get3A_42] {strides = array<i32>} : memref<128xf32, #tpu.memory_space<vmem>>, vector<16xf32>,
        %max3A_44 = arith.maximumf %max3A_41, %get3A_43 : vector<16xf32>
        %get3A_45 = arith.constant 64 : index
        %get3A_46 = tpu.vector_load %arg6[%get3A_45] {strides = array<i32>} : memref<128xf32, #tpu.memory_space<vmem>>, vector<16xf32>,
        %max3A_47 = arith.maximumf %max3A_44, %get3A_46 : vector<16xf32>
        %get3A_48 = arith.constant 80 : index
        %get3A_49 = tpu.vector_load %arg6[%get3A_48] {strides = array<i32>} : memref<128xf32, #tpu.memory_space<vmem>>, vector<16xf32>,
        %max3A_50 = arith.maximumf %max3A_47, %get3A_49 : vector<16xf32>
        %get3A_51 = arith.constant 96 : index
        %get3A_52 = tpu.vector_load %arg6[%get3A_51] {strides = array<i32>} : memref<128xf32, #tpu.memory_space<vmem>>, vector<16xf32>,
        %max3A_53 = arith.maximumf %max3A_50, %get3A_52 : vector<16xf32>
        %get3A_54 = arith.constant 112 : index
        %get3A_55 = tpu.vector_load %arg6[%get3A_54] {strides = array<i32>} : memref<128xf32, #tpu.memory_space<vmem>>, vector<16xf32>,
        %max3A_56 = arith.maximumf %max3A_53, %get3A_55 : vector<16xf32>
        %reduce_max3A = arith.constant true
        %reduce_max3A_57 = vector.broadcast %reduce_max3A : i1 to vector<16xi1>
        %reduce_max3A_58 = tpu.scan <max>, %max3A_56 masked %reduce_max3A_57 : vector<16xf32>, vector<16xi1> -> vector<16xf32>
        %reduce_max3A_59 = vector.extract %reduce_max3A_58[15] : f32 from vector<16xf32>
        %broadcast_in_dim3A_60 = arith.constant 128 : i32
        %broadcast_in_dim3A_61 = vector.broadcast %broadcast_in_dim3A_60 : i32 to vector<16xi32>
        %get3A_62 = arith.constant 0 : index
        %get3A_63 = tpu.vector_load %arg6[%get3A_62] {strides = array<i32>} : memref<128xf32, #tpu.memory_space<vmem>>, vector<16xf32>,
        %eq3A_64 = vector.broadcast %reduce_max3A_59 : f32 to vector<16xf32>
        %eq3A_65 = arith.cmpf oeq, %get3A_63, %eq3A_64 : vector<16xf32>
        %add3A_66 = arith.constant 0 : i32
        %add3A_67 = vector.broadcast %add3A_66 : i32 to vector<16xi32>
        %add3A_68 = arith.addi %add3A_67, %iota3A : vector<16xi32>
        %select_n3A_69 = arith.select %eq3A_65, %add3A_68, %broadcast_in_dim3A_61 : vector<16xi1>, vector<16xi32>
        %min3A = arith.minsi %broadcast_in_dim3A_61, %select_n3A_69 : vector<16xi32>
        %get3A_70 = arith.constant 16 : index
        %get3A_71 = tpu.vector_load %arg6[%get3A_70] {strides = array<i32>} : memref<128xf32, #tpu.memory_space<vmem>>, vector<16xf32>,
        %eq3A_72 = vector.broadcast %reduce_max3A_59 : f32 to vector<16xf32>
        %eq3A_73 = arith.cmpf oeq, %get3A_71, %eq3A_72 : vector<16xf32>
        %add3A_74 = arith.constant 16 : i32
        %add3A_75 = vector.broadcast %add3A_74 : i32 to vector<16xi32>
        %add3A_76 = arith.addi %add3A_75, %iota3A : vector<16xi32>
        %select_n3A_77 = arith.select %eq3A_73, %add3A_76, %broadcast_in_dim3A_61 : vector<16xi1>, vector<16xi32>
        %min3A_78 = arith.minsi %min3A, %select_n3A_77 : vector<16xi32>
        %get3A_79 = arith.constant 32 : index
        %get3A_80 = tpu.vector_load %arg6[%get3A_79] {strides = array<i32>} : memref<128xf32, #tpu.memory_space<vmem>>, vector<16xf32>,
        %eq3A_81 = vector.broadcast %reduce_max3A_59 : f32 to vector<16xf32>
        %eq3A_82 = arith.cmpf oeq, %get3A_80, %eq3A_81 : vector<16xf32>
        %add3A_83 = arith.constant 32 : i32
        %add3A_84 = vector.broadcast %add3A_83 : i32 to vector<16xi32>
        %add3A_85 = arith.addi %add3A_84, %iota3A : vector<16xi32>
        %select_n3A_86 = arith.select %eq3A_82, %add3A_85, %broadcast_in_dim3A_61 : vector<16xi1>, vector<16xi32>
        %min3A_87 = arith.minsi %min3A_78, %select_n3A_86 : vector<16xi32>
        %get3A_88 = arith.constant 48 : index
        %get3A_89 = tpu.vector_load %arg6[%get3A_88] {strides = array<i32>} : memref<128xf32, #tpu.memory_space<vmem>>, vector<16xf32>,
        %eq3A_90 = vector.broadcast %reduce_max3A_59 : f32 to vector<16xf32>
        %eq3A_91 = arith.cmpf oeq, %get3A_89, %eq3A_90 : vector<16xf32>
        %add3A_92 = arith.constant 48 : i32
        %add3A_93 = vector.broadcast %add3A_92 : i32 to vector<16xi32>
        %add3A_94 = arith.addi %add3A_93, %iota3A : vector<16xi32>
        %select_n3A_95 = arith.select %eq3A_91, %add3A_94, %broadcast_in_dim3A_61 : vector<16xi1>, vector<16xi32>
        %min3A_96 = arith.minsi %min3A_87, %select_n3A_95 : vector<16xi32>
        %get3A_97 = arith.constant 64 : index
        %get3A_98 = tpu.vector_load %arg6[%get3A_97] {strides = array<i32>} : memref<128xf32, #tpu.memory_space<vmem>>, vector<16xf32>,
        %eq3A_99 = vector.broadcast %reduce_max3A_59 : f32 to vector<16xf32>
        %eq3A_100 = arith.cmpf oeq, %get3A_98, %eq3A_99 : vector<16xf32>
        %add3A_101 = arith.constant 64 : i32
        %add3A_102 = vector.broadcast %add3A_101 : i32 to vector<16xi32>
        %add3A_103 = arith.addi %add3A_102, %iota3A : vector<16xi32>
        %select_n3A_104 = arith.select %eq3A_100, %add3A_103, %broadcast_in_dim3A_61 : vector<16xi1>, vector<16xi32>
        %min3A_105 = arith.minsi %min3A_96, %select_n3A_104 : vector<16xi32>
        %get3A_106 = arith.constant 80 : index
        %get3A_107 = tpu.vector_load %arg6[%get3A_106] {strides = array<i32>} : memref<128xf32, #tpu.memory_space<vmem>>, vector<16xf32>,
        %eq3A_108 = vector.broadcast %reduce_max3A_59 : f32 to vector<16xf32>
        %eq3A_109 = arith.cmpf oeq, %get3A_107, %eq3A_108 : vector<16xf32>
        %add3A_110 = arith.constant 80 : i32
        %add3A_111 = vector.broadcast %add3A_110 : i32 to vector<16xi32>
        %add3A_112 = arith.addi %add3A_111, %iota3A : vector<16xi32>
        %select_n3A_113 = arith.select %eq3A_109, %add3A_112, %broadcast_in_dim3A_61 : vector<16xi1>, vector<16xi32>
        %min3A_114 = arith.minsi %min3A_105, %select_n3A_113 : vector<16xi32>
        %get3A_115 = arith.constant 96 : index
        %get3A_116 = tpu.vector_load %arg6[%get3A_115] {strides = array<i32>} : memref<128xf32, #tpu.memory_space<vmem>>, vector<16xf32>,
        %eq3A_117 = vector.broadcast %reduce_max3A_59 : f32 to vector<16xf32>
        %eq3A_118 = arith.cmpf oeq, %get3A_116, %eq3A_117 : vector<16xf32>
        %add3A_119 = arith.constant 96 : i32
        %add3A_120 = vector.broadcast %add3A_119 : i32 to vector<16xi32>
        %add3A_121 = arith.addi %add3A_120, %iota3A : vector<16xi32>
        %select_n3A_122 = arith.select %eq3A_118, %add3A_121, %broadcast_in_dim3A_61 : vector<16xi1>, vector<16xi32>
        %min3A_123 = arith.minsi %min3A_114, %select_n3A_122 : vector<16xi32>
        %get3A_124 = arith.constant 112 : index
        %get3A_125 = tpu.vector_load %arg6[%get3A_124] {strides = array<i32>} : memref<128xf32, #tpu.memory_space<vmem>>, vector<16xf32>,
        %eq3A_126 = vector.broadcast %reduce_max3A_59 : f32 to vector<16xf32>
        %eq3A_127 = arith.cmpf oeq, %get3A_125, %eq3A_126 : vector<16xf32>
        %add3A_128 = arith.constant 112 : i32
        %add3A_129 = vector.broadcast %add3A_128 : i32 to vector<16xi32>
        %add3A_130 = arith.addi %add3A_129, %iota3A : vector<16xi32>
        %select_n3A_131 = arith.select %eq3A_127, %add3A_130, %broadcast_in_dim3A_61 : vector<16xi1>, vector<16xi32>
        %min3A_132 = arith.minsi %min3A_123, %select_n3A_131 : vector<16xi32>
        %reduce_min3A = arith.constant true
        %reduce_min3A_133 = vector.broadcast %reduce_min3A : i1 to vector<16xi1>
        %reduce_min3A_134 = arith.constant -2147483648 : i32
        %reduce_min3A_135 = vector.broadcast %reduce_min3A_134 : i32 to vector<16xi32>
        %reduce_min3A_136 = arith.xori %min3A_132, %reduce_min3A_135 : vector<16xi32>
        %reduce_min3A_137 = tpu.scan <min>, %reduce_min3A_136 masked %reduce_min3A_133 : vector<16xi32>, vector<16xi1> -> vector<16xi32>
        %reduce_min3A_138 = arith.xori %reduce_min3A_137, %reduce_min3A_135 : vector<16xi32>
        %reduce_min3A_139 = vector.extract %reduce_min3A_138[15] : i32 from vector<16xi32>
        %mul3A_140 = arith.constant 256 : i32
        %mul3A_141 = arith.muli %reduce_min3A_139, %mul3A_140 : i32
        %broadcast_in_dim3A_142 = arith.constant 0 : i32
        %broadcast_in_dim3A_143 = vector.broadcast %broadcast_in_dim3A_142 : i32 to vector<16xi32>
        %broadcast_in_dim3A_144 = arith.constant 0xFF800000 : f32
        %broadcast_in_dim3A_145 = vector.broadcast %broadcast_in_dim3A_144 : f32 to vector<16xf32>
        %add3A_146 = arith.constant 0 : i32
        %add3A_147 = arith.addi %mul3A_141, %add3A_146 : i32
        %get3A_148 = arith.index_cast %add3A_147 : i32 to index
        %get3A_149 = tpu.vector_load %arg5[%get3A_148] {strides = array<i32>} : memref<32768xf32, #tpu.memory_space<vmem>>, vector<16xf32>,
        %eq3A_150 = vector.broadcast %reduce_max3A_59 : f32 to vector<16xf32>
        %eq3A_151 = arith.cmpf oeq, %get3A_149, %eq3A_150 : vector<16xf32>
        %convert_element_type3A = arith.extui %eq3A_151 : vector<16xi1> to vector<16xi32>
        %add3A_152 = arith.addi %broadcast_in_dim3A_143, %convert_element_type3A : vector<16xi32>
        %jit3A = arith.constant 0xFF800000 : f32
        %broadcast_in_dim3A_153 = vector.broadcast %jit3A : f32 to vector<16xf32>
        %select_n3A_154 = arith.select %eq3A_151, %broadcast_in_dim3A_153, %get3A_149 : vector<16xi1>, vector<16xf32>
        %add3A_155 = arith.constant 0 : i32
        %add3A_156 = arith.addi %mul3A_141, %add3A_155 : i32
        %swap3A_157 = arith.index_cast %add3A_156 : i32 to index
        %swap3A_158 = tpu.vector_load %arg5[%swap3A_157] {strides = array<i32>} : memref<32768xf32, #tpu.memory_space<vmem>>, vector<16xf32>,
        tpu.vector_store %arg5[%swap3A_157], %select_n3A_154 {strides = array<i32>} : memref<32768xf32, #tpu.memory_space<vmem>>, vector<16xf32>,
        %max3A_159 = arith.maximumf %broadcast_in_dim3A_145, %select_n3A_154 : vector<16xf32>
        %add3A_160 = arith.constant 16 : i32
        %add3A_161 = arith.addi %mul3A_141, %add3A_160 : i32
        %get3A_162 = arith.index_cast %add3A_161 : i32 to index
        %get3A_163 = tpu.vector_load %arg5[%get3A_162] {strides = array<i32>} : memref<32768xf32, #tpu.memory_space<vmem>>, vector<16xf32>,
        %eq3A_164 = vector.broadcast %reduce_max3A_59 : f32 to vector<16xf32>
        %eq3A_165 = arith.cmpf oeq, %get3A_163, %eq3A_164 : vector<16xf32>
        %convert_element_type3A_166 = arith.extui %eq3A_165 : vector<16xi1> to vector<16xi32>
        %add3A_167 = arith.addi %add3A_152, %convert_element_type3A_166 : vector<16xi32>
        %jit3A_168 = arith.constant 0xFF800000 : f32
        %broadcast_in_dim3A_169 = vector.broadcast %jit3A_168 : f32 to vector<16xf32>
        %select_n3A_170 = arith.select %eq3A_165, %broadcast_in_dim3A_169, %get3A_163 : vector<16xi1>, vector<16xf32>
        %add3A_171 = arith.constant 16 : i32
        %add3A_172 = arith.addi %mul3A_141, %add3A_171 : i32
        %swap3A_173 = arith.index_cast %add3A_172 : i32 to index
        %swap3A_174 = tpu.vector_load %arg5[%swap3A_173] {strides = array<i32>} : memref<32768xf32, #tpu.memory_space<vmem>>, vector<16xf32>,
        tpu.vector_store %arg5[%swap3A_173], %select_n3A_170 {strides = array<i32>} : memref<32768xf32, #tpu.memory_space<vmem>>, vector<16xf32>,
        %max3A_175 = arith.maximumf %max3A_159, %select_n3A_170 : vector<16xf32>
        %add3A_176 = arith.constant 32 : i32
        %add3A_177 = arith.addi %mul3A_141, %add3A_176 : i32
        %get3A_178 = arith.index_cast %add3A_177 : i32 to index
        %get3A_179 = tpu.vector_load %arg5[%get3A_178] {strides = array<i32>} : memref<32768xf32, #tpu.memory_space<vmem>>, vector<16xf32>,
        %eq3A_180 = vector.broadcast %reduce_max3A_59 : f32 to vector<16xf32>
        %eq3A_181 = arith.cmpf oeq, %get3A_179, %eq3A_180 : vector<16xf32>
        %convert_element_type3A_182 = arith.extui %eq3A_181 : vector<16xi1> to vector<16xi32>
        %add3A_183 = arith.addi %add3A_167, %convert_element_type3A_182 : vector<16xi32>
        %jit3A_184 = arith.constant 0xFF800000 : f32
        %broadcast_in_dim3A_185 = vector.broadcast %jit3A_184 : f32 to vector<16xf32>
        %select_n3A_186 = arith.select %eq3A_181, %broadcast_in_dim3A_185, %get3A_179 : vector<16xi1>, vector<16xf32>
        %add3A_187 = arith.constant 32 : i32
        %add3A_188 = arith.addi %mul3A_141, %add3A_187 : i32
        %swap3A_189 = arith.index_cast %add3A_188 : i32 to index
        %swap3A_190 = tpu.vector_load %arg5[%swap3A_189] {strides = array<i32>} : memref<32768xf32, #tpu.memory_space<vmem>>, vector<16xf32>,
        tpu.vector_store %arg5[%swap3A_189], %select_n3A_186 {strides = array<i32>} : memref<32768xf32, #tpu.memory_space<vmem>>, vector<16xf32>,
        %max3A_191 = arith.maximumf %max3A_175, %select_n3A_186 : vector<16xf32>
        %add3A_192 = arith.constant 48 : i32
        %add3A_193 = arith.addi %mul3A_141, %add3A_192 : i32
        %get3A_194 = arith.index_cast %add3A_193 : i32 to index
        %get3A_195 = tpu.vector_load %arg5[%get3A_194] {strides = array<i32>} : memref<32768xf32, #tpu.memory_space<vmem>>, vector<16xf32>,
        %eq3A_196 = vector.broadcast %reduce_max3A_59 : f32 to vector<16xf32>
        %eq3A_197 = arith.cmpf oeq, %get3A_195, %eq3A_196 : vector<16xf32>
        %convert_element_type3A_198 = arith.extui %eq3A_197 : vector<16xi1> to vector<16xi32>
        %add3A_199 = arith.addi %add3A_183, %convert_element_type3A_198 : vector<16xi32>
        %jit3A_200 = arith.constant 0xFF800000 : f32
        %broadcast_in_dim3A_201 = vector.broadcast %jit3A_200 : f32 to vector<16xf32>
        %select_n3A_202 = arith.select %eq3A_197, %broadcast_in_dim3A_201, %get3A_195 : vector<16xi1>, vector<16xf32>
        %add3A_203 = arith.constant 48 : i32
        %add3A_204 = arith.addi %mul3A_141, %add3A_203 : i32
        %swap3A_205 = arith.index_cast %add3A_204 : i32 to index
        %swap3A_206 = tpu.vector_load %arg5[%swap3A_205] {strides = array<i32>} : memref<32768xf32, #tpu.memory_space<vmem>>, vector<16xf32>,
        tpu.vector_store %arg5[%swap3A_205], %select_n3A_202 {strides = array<i32>} : memref<32768xf32, #tpu.memory_space<vmem>>, vector<16xf32>,
        %max3A_207 = arith.maximumf %max3A_191, %select_n3A_202 : vector<16xf32>
        %add3A_208 = arith.constant 64 : i32
        %add3A_209 = arith.addi %mul3A_141, %add3A_208 : i32
        %get3A_210 = arith.index_cast %add3A_209 : i32 to index
        %get3A_211 = tpu.vector_load %arg5[%get3A_210] {strides = array<i32>} : memref<32768xf32, #tpu.memory_space<vmem>>, vector<16xf32>,
        %eq3A_212 = vector.broadcast %reduce_max3A_59 : f32 to vector<16xf32>
        %eq3A_213 = arith.cmpf oeq, %get3A_211, %eq3A_212 : vector<16xf32>
        %convert_element_type3A_214 = arith.extui %eq3A_213 : vector<16xi1> to vector<16xi32>
        %add3A_215 = arith.addi %add3A_199, %convert_element_type3A_214 : vector<16xi32>
        %jit3A_216 = arith.constant 0xFF800000 : f32
        %broadcast_in_dim3A_217 = vector.broadcast %jit3A_216 : f32 to vector<16xf32>
        %select_n3A_218 = arith.select %eq3A_213, %broadcast_in_dim3A_217, %get3A_211 : vector<16xi1>, vector<16xf32>
        %add3A_219 = arith.constant 64 : i32
        %add3A_220 = arith.addi %mul3A_141, %add3A_219 : i32
        %swap3A_221 = arith.index_cast %add3A_220 : i32 to index
        %swap3A_222 = tpu.vector_load %arg5[%swap3A_221] {strides = array<i32>} : memref<32768xf32, #tpu.memory_space<vmem>>, vector<16xf32>,
        tpu.vector_store %arg5[%swap3A_221], %select_n3A_218 {strides = array<i32>} : memref<32768xf32, #tpu.memory_space<vmem>>, vector<16xf32>,
        %max3A_223 = arith.maximumf %max3A_207, %select_n3A_218 : vector<16xf32>
        %add3A_224 = arith.constant 80 : i32
        %add3A_225 = arith.addi %mul3A_141, %add3A_224 : i32
        %get3A_226 = arith.index_cast %add3A_225 : i32 to index
        %get3A_227 = tpu.vector_load %arg5[%get3A_226] {strides = array<i32>} : memref<32768xf32, #tpu.memory_space<vmem>>, vector<16xf32>,
        %eq3A_228 = vector.broadcast %reduce_max3A_59 : f32 to vector<16xf32>
        %eq3A_229 = arith.cmpf oeq, %get3A_227, %eq3A_228 : vector<16xf32>
        %convert_element_type3A_230 = arith.extui %eq3A_229 : vector<16xi1> to vector<16xi32>
        %add3A_231 = arith.addi %add3A_215, %convert_element_type3A_230 : vector<16xi32>
        %jit3A_232 = arith.constant 0xFF800000 : f32
        %broadcast_in_dim3A_233 = vector.broadcast %jit3A_232 : f32 to vector<16xf32>
        %select_n3A_234 = arith.select %eq3A_229, %broadcast_in_dim3A_233, %get3A_227 : vector<16xi1>, vector<16xf32>
        %add3A_235 = arith.constant 80 : i32
        %add3A_236 = arith.addi %mul3A_141, %add3A_235 : i32
        %swap3A_237 = arith.index_cast %add3A_236 : i32 to index
        %swap3A_238 = tpu.vector_load %arg5[%swap3A_237] {strides = array<i32>} : memref<32768xf32, #tpu.memory_space<vmem>>, vector<16xf32>,
        tpu.vector_store %arg5[%swap3A_237], %select_n3A_234 {strides = array<i32>} : memref<32768xf32, #tpu.memory_space<vmem>>, vector<16xf32>,
        %max3A_239 = arith.maximumf %max3A_223, %select_n3A_234 : vector<16xf32>
        %add3A_240 = arith.constant 96 : i32
        %add3A_241 = arith.addi %mul3A_141, %add3A_240 : i32
        %get3A_242 = arith.index_cast %add3A_241 : i32 to index
        %get3A_243 = tpu.vector_load %arg5[%get3A_242] {strides = array<i32>} : memref<32768xf32, #tpu.memory_space<vmem>>, vector<16xf32>,
        %eq3A_244 = vector.broadcast %reduce_max3A_59 : f32 to vector<16xf32>
        %eq3A_245 = arith.cmpf oeq, %get3A_243, %eq3A_244 : vector<16xf32>
        %convert_element_type3A_246 = arith.extui %eq3A_245 : vector<16xi1> to vector<16xi32>
        %add3A_247 = arith.addi %add3A_231, %convert_element_type3A_246 : vector<16xi32>
        %jit3A_248 = arith.constant 0xFF800000 : f32
        %broadcast_in_dim3A_249 = vector.broadcast %jit3A_248 : f32 to vector<16xf32>
        %select_n3A_250 = arith.select %eq3A_245, %broadcast_in_dim3A_249, %get3A_243 : vector<16xi1>, vector<16xf32>
        %add3A_251 = arith.constant 96 : i32
        %add3A_252 = arith.addi %mul3A_141, %add3A_251 : i32
        %swap3A_253 = arith.index_cast %add3A_252 : i32 to index
        %swap3A_254 = tpu.vector_load %arg5[%swap3A_253] {strides = array<i32>} : memref<32768xf32, #tpu.memory_space<vmem>>, vector<16xf32>,
        tpu.vector_store %arg5[%swap3A_253], %select_n3A_250 {strides = array<i32>} : memref<32768xf32, #tpu.memory_space<vmem>>, vector<16xf32>,
        %max3A_255 = arith.maximumf %max3A_239, %select_n3A_250 : vector<16xf32>
        %add3A_256 = arith.constant 112 : i32
        %add3A_257 = arith.addi %mul3A_141, %add3A_256 : i32
        %get3A_258 = arith.index_cast %add3A_257 : i32 to index
        %get3A_259 = tpu.vector_load %arg5[%get3A_258] {strides = array<i32>} : memref<32768xf32, #tpu.memory_space<vmem>>, vector<16xf32>,
        %eq3A_260 = vector.broadcast %reduce_max3A_59 : f32 to vector<16xf32>
        %eq3A_261 = arith.cmpf oeq, %get3A_259, %eq3A_260 : vector<16xf32>
        %convert_element_type3A_262 = arith.extui %eq3A_261 : vector<16xi1> to vector<16xi32>
        %add3A_263 = arith.addi %add3A_247, %convert_element_type3A_262 : vector<16xi32>
        %jit3A_264 = arith.constant 0xFF800000 : f32
        %broadcast_in_dim3A_265 = vector.broadcast %jit3A_264 : f32 to vector<16xf32>
        %select_n3A_266 = arith.select %eq3A_261, %broadcast_in_dim3A_265, %get3A_259 : vector<16xi1>, vector<16xf32>
        %add3A_267 = arith.constant 112 : i32
        %add3A_268 = arith.addi %mul3A_141, %add3A_267 : i32
        %swap3A_269 = arith.index_cast %add3A_268 : i32 to index
        %swap3A_270 = tpu.vector_load %arg5[%swap3A_269] {strides = array<i32>} : memref<32768xf32, #tpu.memory_space<vmem>>, vector<16xf32>,
        tpu.vector_store %arg5[%swap3A_269], %select_n3A_266 {strides = array<i32>} : memref<32768xf32, #tpu.memory_space<vmem>>, vector<16xf32>,
        %max3A_271 = arith.maximumf %max3A_255, %select_n3A_266 : vector<16xf32>
        %add3A_272 = arith.constant 128 : i32
        %add3A_273 = arith.addi %mul3A_141, %add3A_272 : i32
        %get3A_274 = arith.index_cast %add3A_273 : i32 to index
        %get3A_275 = tpu.vector_load %arg5[%get3A_274] {strides = array<i32>} : memref<32768xf32, #tpu.memory_space<vmem>>, vector<16xf32>,
        %eq3A_276 = vector.broadcast %reduce_max3A_59 : f32 to vector<16xf32>
        %eq3A_277 = arith.cmpf oeq, %get3A_275, %eq3A_276 : vector<16xf32>
        %convert_element_type3A_278 = arith.extui %eq3A_277 : vector<16xi1> to vector<16xi32>
        %add3A_279 = arith.addi %add3A_263, %convert_element_type3A_278 : vector<16xi32>
        %jit3A_280 = arith.constant 0xFF800000 : f32
        %broadcast_in_dim3A_281 = vector.broadcast %jit3A_280 : f32 to vector<16xf32>
        %select_n3A_282 = arith.select %eq3A_277, %broadcast_in_dim3A_281, %get3A_275 : vector<16xi1>, vector<16xf32>
        %add3A_283 = arith.constant 128 : i32
        %add3A_284 = arith.addi %mul3A_141, %add3A_283 : i32
        %swap3A_285 = arith.index_cast %add3A_284 : i32 to index
        %swap3A_286 = tpu.vector_load %arg5[%swap3A_285] {strides = array<i32>} : memref<32768xf32, #tpu.memory_space<vmem>>, vector<16xf32>,
        tpu.vector_store %arg5[%swap3A_285], %select_n3A_282 {strides = array<i32>} : memref<32768xf32, #tpu.memory_space<vmem>>, vector<16xf32>,
        %max3A_287 = arith.maximumf %max3A_271, %select_n3A_282 : vector<16xf32>
        %add3A_288 = arith.constant 144 : i32
        %add3A_289 = arith.addi %mul3A_141, %add3A_288 : i32
        %get3A_290 = arith.index_cast %add3A_289 : i32 to index
        %get3A_291 = tpu.vector_load %arg5[%get3A_290] {strides = array<i32>} : memref<32768xf32, #tpu.memory_space<vmem>>, vector<16xf32>,
        %eq3A_292 = vector.broadcast %reduce_max3A_59 : f32 to vector<16xf32>
        %eq3A_293 = arith.cmpf oeq, %get3A_291, %eq3A_292 : vector<16xf32>
        %convert_element_type3A_294 = arith.extui %eq3A_293 : vector<16xi1> to vector<16xi32>
        %add3A_295 = arith.addi %add3A_279, %convert_element_type3A_294 : vector<16xi32>
        %jit3A_296 = arith.constant 0xFF800000 : f32
        %broadcast_in_dim3A_297 = vector.broadcast %jit3A_296 : f32 to vector<16xf32>
        %select_n3A_298 = arith.select %eq3A_293, %broadcast_in_dim3A_297, %get3A_291 : vector<16xi1>, vector<16xf32>
        %add3A_299 = arith.constant 144 : i32
        %add3A_300 = arith.addi %mul3A_141, %add3A_299 : i32
        %swap3A_301 = arith.index_cast %add3A_300 : i32 to index
        %swap3A_302 = tpu.vector_load %arg5[%swap3A_301] {strides = array<i32>} : memref<32768xf32, #tpu.memory_space<vmem>>, vector<16xf32>,
        tpu.vector_store %arg5[%swap3A_301], %select_n3A_298 {strides = array<i32>} : memref<32768xf32, #tpu.memory_space<vmem>>, vector<16xf32>,
        %max3A_303 = arith.maximumf %max3A_287, %select_n3A_298 : vector<16xf32>
        %add3A_304 = arith.constant 160 : i32
        %add3A_305 = arith.addi %mul3A_141, %add3A_304 : i32
        %get3A_306 = arith.index_cast %add3A_305 : i32 to index
        %get3A_307 = tpu.vector_load %arg5[%get3A_306] {strides = array<i32>} : memref<32768xf32, #tpu.memory_space<vmem>>, vector<16xf32>,
        %eq3A_308 = vector.broadcast %reduce_max3A_59 : f32 to vector<16xf32>
        %eq3A_309 = arith.cmpf oeq, %get3A_307, %eq3A_308 : vector<16xf32>
        %convert_element_type3A_310 = arith.extui %eq3A_309 : vector<16xi1> to vector<16xi32>
        %add3A_311 = arith.addi %add3A_295, %convert_element_type3A_310 : vector<16xi32>
        %jit3A_312 = arith.constant 0xFF800000 : f32
        %broadcast_in_dim3A_313 = vector.broadcast %jit3A_312 : f32 to vector<16xf32>
        %select_n3A_314 = arith.select %eq3A_309, %broadcast_in_dim3A_313, %get3A_307 : vector<16xi1>, vector<16xf32>
        %add3A_315 = arith.constant 160 : i32
        %add3A_316 = arith.addi %mul3A_141, %add3A_315 : i32
        %swap3A_317 = arith.index_cast %add3A_316 : i32 to index
        %swap3A_318 = tpu.vector_load %arg5[%swap3A_317] {strides = array<i32>} : memref<32768xf32, #tpu.memory_space<vmem>>, vector<16xf32>,
        tpu.vector_store %arg5[%swap3A_317], %select_n3A_314 {strides = array<i32>} : memref<32768xf32, #tpu.memory_space<vmem>>, vector<16xf32>,
        %max3A_319 = arith.maximumf %max3A_303, %select_n3A_314 : vector<16xf32>
        %add3A_320 = arith.constant 176 : i32
        %add3A_321 = arith.addi %mul3A_141, %add3A_320 : i32
        %get3A_322 = arith.index_cast %add3A_321 : i32 to index
        %get3A_323 = tpu.vector_load %arg5[%get3A_322] {strides = array<i32>} : memref<32768xf32, #tpu.memory_space<vmem>>, vector<16xf32>,
        %eq3A_324 = vector.broadcast %reduce_max3A_59 : f32 to vector<16xf32>
        %eq3A_325 = arith.cmpf oeq, %get3A_323, %eq3A_324 : vector<16xf32>
        %convert_element_type3A_326 = arith.extui %eq3A_325 : vector<16xi1> to vector<16xi32>
        %add3A_327 = arith.addi %add3A_311, %convert_element_type3A_326 : vector<16xi32>
        %jit3A_328 = arith.constant 0xFF800000 : f32
        %broadcast_in_dim3A_329 = vector.broadcast %jit3A_328 : f32 to vector<16xf32>
        %select_n3A_330 = arith.select %eq3A_325, %broadcast_in_dim3A_329, %get3A_323 : vector<16xi1>, vector<16xf32>
        %add3A_331 = arith.constant 176 : i32
        %add3A_332 = arith.addi %mul3A_141, %add3A_331 : i32
        %swap3A_333 = arith.index_cast %add3A_332 : i32 to index
        %swap3A_334 = tpu.vector_load %arg5[%swap3A_333] {strides = array<i32>} : memref<32768xf32, #tpu.memory_space<vmem>>, vector<16xf32>,
        tpu.vector_store %arg5[%swap3A_333], %select_n3A_330 {strides = array<i32>} : memref<32768xf32, #tpu.memory_space<vmem>>, vector<16xf32>,
        %max3A_335 = arith.maximumf %max3A_319, %select_n3A_330 : vector<16xf32>
        %add3A_336 = arith.constant 192 : i32
        %add3A_337 = arith.addi %mul3A_141, %add3A_336 : i32
        %get3A_338 = arith.index_cast %add3A_337 : i32 to index
        %get3A_339 = tpu.vector_load %arg5[%get3A_338] {strides = array<i32>} : memref<32768xf32, #tpu.memory_space<vmem>>, vector<16xf32>,
        %eq3A_340 = vector.broadcast %reduce_max3A_59 : f32 to vector<16xf32>
        %eq3A_341 = arith.cmpf oeq, %get3A_339, %eq3A_340 : vector<16xf32>
        %convert_element_type3A_342 = arith.extui %eq3A_341 : vector<16xi1> to vector<16xi32>
        %add3A_343 = arith.addi %add3A_327, %convert_element_type3A_342 : vector<16xi32>
        %jit3A_344 = arith.constant 0xFF800000 : f32
        %broadcast_in_dim3A_345 = vector.broadcast %jit3A_344 : f32 to vector<16xf32>
        %select_n3A_346 = arith.select %eq3A_341, %broadcast_in_dim3A_345, %get3A_339 : vector<16xi1>, vector<16xf32>
        %add3A_347 = arith.constant 192 : i32
        %add3A_348 = arith.addi %mul3A_141, %add3A_347 : i32
        %swap3A_349 = arith.index_cast %add3A_348 : i32 to index
        %swap3A_350 = tpu.vector_load %arg5[%swap3A_349] {strides = array<i32>} : memref<32768xf32, #tpu.memory_space<vmem>>, vector<16xf32>,
        tpu.vector_store %arg5[%swap3A_349], %select_n3A_346 {strides = array<i32>} : memref<32768xf32, #tpu.memory_space<vmem>>, vector<16xf32>,
        %max3A_351 = arith.maximumf %max3A_335, %select_n3A_346 : vector<16xf32>
        %add3A_352 = arith.constant 208 : i32
        %add3A_353 = arith.addi %mul3A_141, %add3A_352 : i32
        %get3A_354 = arith.index_cast %add3A_353 : i32 to index
        %get3A_355 = tpu.vector_load %arg5[%get3A_354] {strides = array<i32>} : memref<32768xf32, #tpu.memory_space<vmem>>, vector<16xf32>,
        %eq3A_356 = vector.broadcast %reduce_max3A_59 : f32 to vector<16xf32>
        %eq3A_357 = arith.cmpf oeq, %get3A_355, %eq3A_356 : vector<16xf32>
        %convert_element_type3A_358 = arith.extui %eq3A_357 : vector<16xi1> to vector<16xi32>
        %add3A_359 = arith.addi %add3A_343, %convert_element_type3A_358 : vector<16xi32>
        %jit3A_360 = arith.constant 0xFF800000 : f32
        %broadcast_in_dim3A_361 = vector.broadcast %jit3A_360 : f32 to vector<16xf32>
        %select_n3A_362 = arith.select %eq3A_357, %broadcast_in_dim3A_361, %get3A_355 : vector<16xi1>, vector<16xf32>
        %add3A_363 = arith.constant 208 : i32
        %add3A_364 = arith.addi %mul3A_141, %add3A_363 : i32
        %swap3A_365 = arith.index_cast %add3A_364 : i32 to index
        %swap3A_366 = tpu.vector_load %arg5[%swap3A_365] {strides = array<i32>} : memref<32768xf32, #tpu.memory_space<vmem>>, vector<16xf32>,
        tpu.vector_store %arg5[%swap3A_365], %select_n3A_362 {strides = array<i32>} : memref<32768xf32, #tpu.memory_space<vmem>>, vector<16xf32>,
        %max3A_367 = arith.maximumf %max3A_351, %select_n3A_362 : vector<16xf32>
        %add3A_368 = arith.constant 224 : i32
        %add3A_369 = arith.addi %mul3A_141, %add3A_368 : i32
        %get3A_370 = arith.index_cast %add3A_369 : i32 to index
        %get3A_371 = tpu.vector_load %arg5[%get3A_370] {strides = array<i32>} : memref<32768xf32, #tpu.memory_space<vmem>>, vector<16xf32>,
        %eq3A_372 = vector.broadcast %reduce_max3A_59 : f32 to vector<16xf32>
        %eq3A_373 = arith.cmpf oeq, %get3A_371, %eq3A_372 : vector<16xf32>
        %convert_element_type3A_374 = arith.extui %eq3A_373 : vector<16xi1> to vector<16xi32>
        %add3A_375 = arith.addi %add3A_359, %convert_element_type3A_374 : vector<16xi32>
        %jit3A_376 = arith.constant 0xFF800000 : f32
        %broadcast_in_dim3A_377 = vector.broadcast %jit3A_376 : f32 to vector<16xf32>
        %select_n3A_378 = arith.select %eq3A_373, %broadcast_in_dim3A_377, %get3A_371 : vector<16xi1>, vector<16xf32>
        %add3A_379 = arith.constant 224 : i32
        %add3A_380 = arith.addi %mul3A_141, %add3A_379 : i32
        %swap3A_381 = arith.index_cast %add3A_380 : i32 to index
        %swap3A_382 = tpu.vector_load %arg5[%swap3A_381] {strides = array<i32>} : memref<32768xf32, #tpu.memory_space<vmem>>, vector<16xf32>,
        tpu.vector_store %arg5[%swap3A_381], %select_n3A_378 {strides = array<i32>} : memref<32768xf32, #tpu.memory_space<vmem>>, vector<16xf32>,
        %max3A_383 = arith.maximumf %max3A_367, %select_n3A_378 : vector<16xf32>
        %add3A_384 = arith.constant 240 : i32
        %add3A_385 = arith.addi %mul3A_141, %add3A_384 : i32
        %get3A_386 = arith.index_cast %add3A_385 : i32 to index
        %get3A_387 = tpu.vector_load %arg5[%get3A_386] {strides = array<i32>} : memref<32768xf32, #tpu.memory_space<vmem>>, vector<16xf32>,
        %eq3A_388 = vector.broadcast %reduce_max3A_59 : f32 to vector<16xf32>
        %eq3A_389 = arith.cmpf oeq, %get3A_387, %eq3A_388 : vector<16xf32>
        %convert_element_type3A_390 = arith.extui %eq3A_389 : vector<16xi1> to vector<16xi32>
        %add3A_391 = arith.addi %add3A_375, %convert_element_type3A_390 : vector<16xi32>
        %jit3A_392 = arith.constant 0xFF800000 : f32
        %broadcast_in_dim3A_393 = vector.broadcast %jit3A_392 : f32 to vector<16xf32>
        %select_n3A_394 = arith.select %eq3A_389, %broadcast_in_dim3A_393, %get3A_387 : vector<16xi1>, vector<16xf32>
        %add3A_395 = arith.constant 240 : i32
        %add3A_396 = arith.addi %mul3A_141, %add3A_395 : i32
        %swap3A_397 = arith.index_cast %add3A_396 : i32 to index
        %swap3A_398 = tpu.vector_load %arg5[%swap3A_397] {strides = array<i32>} : memref<32768xf32, #tpu.memory_space<vmem>>, vector<16xf32>,
        tpu.vector_store %arg5[%swap3A_397], %select_n3A_394 {strides = array<i32>} : memref<32768xf32, #tpu.memory_space<vmem>>, vector<16xf32>,
        %max3A_399 = arith.maximumf %max3A_383, %select_n3A_394 : vector<16xf32>
        %jit3A_400 = arith.constant 16 : i32
        %div3A = arith.divsi %reduce_min3A_139, %jit3A_400 : i32
        %sign3A = arith.constant 0 : i32
        %sign3A_401 = arith.cmpi sgt, %reduce_min3A_139, %sign3A : i32
        %sign3A_402 = arith.extui %sign3A_401 : i1 to i32
        %sign3A_403 = arith.constant 0 : i32
        %sign3A_404 = arith.cmpi slt, %reduce_min3A_139, %sign3A_403 : i32
        %sign3A_405 = arith.extui %sign3A_404 : i1 to i32
        %sign3A_406 = arith.subi %sign3A_402, %sign3A_405 : i32
        %sign3A_407 = arith.constant 0 : i32
        %sign3A_408 = arith.cmpi sgt, %jit3A_400, %sign3A_407 : i32
        %sign3A_409 = arith.extui %sign3A_408 : i1 to i32
        %sign3A_410 = arith.constant 0 : i32
        %sign3A_411 = arith.cmpi slt, %jit3A_400, %sign3A_410 : i32
        %sign3A_412 = arith.extui %sign3A_411 : i1 to i32
        %sign3A_413 = arith.subi %sign3A_409, %sign3A_412 : i32
        %ne3A = arith.cmpi ne, %sign3A_406, %sign3A_413 : i32
        %rem3A = arith.remsi %reduce_min3A_139, %jit3A_400 : i32
        %ne3A_414 = arith.constant 0 : i32
        %ne3A_415 = arith.cmpi ne, %rem3A, %ne3A_414 : i32
        %and3A = arith.andi %ne3A, %ne3A_415 : i1
        %sub3A = arith.constant 1 : i32
        %sub3A_416 = arith.subi %div3A, %sub3A : i32
        %select_n3A_417 = arith.select %and3A, %sub3A_416, %div3A : i32
        %mul3A_418 = arith.constant 16 : i32
        %mul3A_419 = arith.muli %select_n3A_417, %mul3A_418 : i32
        %get3A_420 = arith.index_cast %mul3A_419 : i32 to index
        %get3A_421 = tpu.vector_load %arg6[%get3A_420] {strides = array<i32>} : memref<128xf32, #tpu.memory_space<vmem>>, vector<16xf32>,
        %sub3A_422 = arith.subi %reduce_min3A_139, %mul3A_419 : i32
        %eq3A_423 = vector.broadcast %sub3A_422 : i32 to vector<16xi32>
        %eq3A_424 = arith.cmpi eq, %iota3A, %eq3A_423 : vector<16xi32>
        %reduce_max3A_425 = arith.constant true
        %reduce_max3A_426 = vector.broadcast %reduce_max3A_425 : i1 to vector<16xi1>
        %reduce_max3A_427 = tpu.scan <max>, %max3A_399 masked %reduce_max3A_426 : vector<16xf32>, vector<16xi1> -> vector<16xf32>
        %reduce_max3A_428 = vector.extract %reduce_max3A_427[15] : f32 from vector<16xf32>
        %broadcast_in_dim3A_429 = vector.broadcast %reduce_max3A_428 : f32 to vector<16xf32>
        %select_n3A_430 = arith.select %eq3A_424, %broadcast_in_dim3A_429, %get3A_421 : vector<16xi1>, vector<16xf32>
        %swap3A_431 = arith.index_cast %mul3A_419 : i32 to index
        %swap3A_432 = tpu.vector_load %arg6[%swap3A_431] {strides = array<i32>} : memref<128xf32, #tpu.memory_space<vmem>>, vector<16xf32>,
        tpu.vector_store %arg6[%swap3A_431], %select_n3A_430 {strides = array<i32>} : memref<128xf32, #tpu.memory_space<vmem>>, vector<16xf32>,
        %reduce_sum3A_433 = arith.constant true
        %reduce_sum3A_434 = vector.broadcast %reduce_sum3A_433 : i1 to vector<16xi1>
        %reduce_sum3A_435 = tpu.scan <sum>, %add3A_391 masked %reduce_sum3A_434 : vector<16xi32>, vector<16xi1> -> vector<16xi32>
        %reduce_sum3A_436 = vector.extract %reduce_sum3A_435[15] : i32 from vector<16xi32>
        %sub3A_437 = arith.constant 64 : i32
        %sub3A_438 = arith.subi %sub3A_437, %while3A_34 : i32
        %min3A_439 = arith.minsi %reduce_sum3A_436, %sub3A_438 : i32
        %add3A_440 = arith.constant 0 : i32
        %add3A_441 = arith.addi %while3A_34, %add3A_440 : i32
        %add3A_442 = vector.broadcast %add3A_441 : i32 to vector<16xi32>
        %add3A_443 = arith.addi %add3A_442, %iota3A : vector<16xi32>
        %min3A_444 = arith.constant 127 : i32
        %min3A_445 = vector.broadcast %min3A_444 : i32 to vector<16xi32>
        %min3A_446 = arith.minsi %add3A_443, %min3A_445 : vector<16xi32>
        %gather3A = tpu.vector_load_idx %arg7[%min3A_446] : memref<128xf32, #tpu.memory_space<vmem>>[vector<16xi32>], vector<16xf32>,
        %sub3A_447 = arith.constant 0 : i32
        %sub3A_448 = arith.subi %min3A_439, %sub3A_447 : i32
        %lt3A = vector.broadcast %sub3A_448 : i32 to vector<16xi32>
        %lt3A_449 = arith.cmpi slt, %iota3A, %lt3A : vector<16xi32>
        %mul3A_450 = vector.broadcast %reduce_max3A_59 : f32 to vector<16xf32>
        %mul3A_451 = arith.mulf %mul3A_450, %gather3A : vector<16xf32>
        %jit3A_452 = arith.constant 0.000000e+00 : f32
        %broadcast_in_dim3A_453 = vector.broadcast %jit3A_452 : f32 to vector<16xf32>
        %select_n3A_454 = arith.select %lt3A_449, %mul3A_451, %broadcast_in_dim3A_453 : vector<16xi1>, vector<16xf32>
        %add3A_455 = arith.addf %while3A_35, %select_n3A_454 : vector<16xf32>
        %add3A_456 = arith.constant 16 : i32
        %add3A_457 = arith.addi %while3A_34, %add3A_456 : i32
        %add3A_458 = vector.broadcast %add3A_457 : i32 to vector<16xi32>
        %add3A_459 = arith.addi %add3A_458, %iota3A : vector<16xi32>
        %min3A_460 = arith.constant 127 : i32
        %min3A_461 = vector.broadcast %min3A_460 : i32 to vector<16xi32>
        %min3A_462 = arith.minsi %add3A_459, %min3A_461 : vector<16xi32>
        %gather3A_463 = tpu.vector_load_idx %arg7[%min3A_462] : memref<128xf32, #tpu.memory_space<vmem>>[vector<16xi32>], vector<16xf32>,
        %sub3A_464 = arith.constant 16 : i32
        %sub3A_465 = arith.subi %min3A_439, %sub3A_464 : i32
        %lt3A_466 = vector.broadcast %sub3A_465 : i32 to vector<16xi32>
        %lt3A_467 = arith.cmpi slt, %iota3A, %lt3A_466 : vector<16xi32>
        %mul3A_468 = vector.broadcast %reduce_max3A_59 : f32 to vector<16xf32>
        %mul3A_469 = arith.mulf %mul3A_468, %gather3A_463 : vector<16xf32>
        %jit3A_470 = arith.constant 0.000000e+00 : f32
        %broadcast_in_dim3A_471 = vector.broadcast %jit3A_470 : f32 to vector<16xf32>
        %select_n3A_472 = arith.select %lt3A_467, %mul3A_469, %broadcast_in_dim3A_471 : vector<16xi1>, vector<16xf32>
        %add3A_473 = arith.addf %add3A_455, %select_n3A_472 : vector<16xf32>
        %add3A_474 = arith.constant 32 : i32
        %add3A_475 = arith.addi %while3A_34, %add3A_474 : i32
        %add3A_476 = vector.broadcast %add3A_475 : i32 to vector<16xi32>
        %add3A_477 = arith.addi %add3A_476, %iota3A : vector<16xi32>
        %min3A_478 = arith.constant 127 : i32
        %min3A_479 = vector.broadcast %min3A_478 : i32 to vector<16xi32>
        %min3A_480 = arith.minsi %add3A_477, %min3A_479 : vector<16xi32>
        %gather3A_481 = tpu.vector_load_idx %arg7[%min3A_480] : memref<128xf32, #tpu.memory_space<vmem>>[vector<16xi32>], vector<16xf32>,
        %sub3A_482 = arith.constant 32 : i32
        %sub3A_483 = arith.subi %min3A_439, %sub3A_482 : i32
        %lt3A_484 = vector.broadcast %sub3A_483 : i32 to vector<16xi32>
        %lt3A_485 = arith.cmpi slt, %iota3A, %lt3A_484 : vector<16xi32>
        %mul3A_486 = vector.broadcast %reduce_max3A_59 : f32 to vector<16xf32>
        %mul3A_487 = arith.mulf %mul3A_486, %gather3A_481 : vector<16xf32>
        %jit3A_488 = arith.constant 0.000000e+00 : f32
        %broadcast_in_dim3A_489 = vector.broadcast %jit3A_488 : f32 to vector<16xf32>
        %select_n3A_490 = arith.select %lt3A_485, %mul3A_487, %broadcast_in_dim3A_489 : vector<16xi1>, vector<16xf32>
        %add3A_491 = arith.addf %add3A_473, %select_n3A_490 : vector<16xf32>
        %add3A_492 = arith.constant 48 : i32
        %add3A_493 = arith.addi %while3A_34, %add3A_492 : i32
        %add3A_494 = vector.broadcast %add3A_493 : i32 to vector<16xi32>
        %add3A_495 = arith.addi %add3A_494, %iota3A : vector<16xi32>
        %min3A_496 = arith.constant 127 : i32
        %min3A_497 = vector.broadcast %min3A_496 : i32 to vector<16xi32>
        %min3A_498 = arith.minsi %add3A_495, %min3A_497 : vector<16xi32>
        %gather3A_499 = tpu.vector_load_idx %arg7[%min3A_498] : memref<128xf32, #tpu.memory_space<vmem>>[vector<16xi32>], vector<16xf32>,
        %sub3A_500 = arith.constant 48 : i32
        %sub3A_501 = arith.subi %min3A_439, %sub3A_500 : i32
        %lt3A_502 = vector.broadcast %sub3A_501 : i32 to vector<16xi32>
        %lt3A_503 = arith.cmpi slt, %iota3A, %lt3A_502 : vector<16xi32>
        %mul3A_504 = vector.broadcast %reduce_max3A_59 : f32 to vector<16xf32>
        %mul3A_505 = arith.mulf %mul3A_504, %gather3A_499 : vector<16xf32>
        %jit3A_506 = arith.constant 0.000000e+00 : f32
        %broadcast_in_dim3A_507 = vector.broadcast %jit3A_506 : f32 to vector<16xf32>
        %select_n3A_508 = arith.select %lt3A_503, %mul3A_505, %broadcast_in_dim3A_507 : vector<16xi1>, vector<16xf32>
        %add3A_509 = arith.addf %add3A_491, %select_n3A_508 : vector<16xf32>
        %add3A_510 = arith.addi %while3A_34, %min3A_439 : i32
        scf.yield %add3A_510, %add3A_509 : i32, vector<16xf32>
      }
      %eq3A = vector.broadcast %scan3A_10 : i32 to vector<16xi32>
      %eq3A_29 = arith.cmpi eq, %iota3A, %eq3A : vector<16xi32>
      %reduce_sum3A = arith.constant true
      %reduce_sum3A_30 = vector.broadcast %reduce_sum3A : i1 to vector<16xi1>
      %reduce_sum3A_31 = tpu.scan <sum>, %while3A_28#1 masked %reduce_sum3A_30 : vector<16xf32>, vector<16xi1> -> vector<16xf32>
      %reduce_sum3A_32 = vector.extract %reduce_sum3A_31[15] : f32 from vector<16xf32>
      %broadcast_in_dim3A_33 = vector.broadcast %reduce_sum3A_32 : f32 to vector<16xf32>
      %select_n3A = arith.select %eq3A_29, %broadcast_in_dim3A_33, %scan3A_11 : vector<16xi1>, vector<16xf32>
      scf.yield %select_n3A : vector<16xf32>
    }
    %scan3A_6 = arith.constant 4 : i32
    %swap3A = arith.constant 0 : index
    %swap3A_7 = tpu.vector_load %arg6[%swap3A] {strides = array<i32>} : memref<128xf32, #tpu.memory_space<vmem>>, vector<16xf32>,
    tpu.vector_store %arg6[%swap3A], %scan3A_5 {strides = array<i32>} : memref<128xf32, #tpu.memory_space<vmem>>, vector<16xf32>,
    %mul3A_8 = arith.constant 16 : i32
    %mul3A_9 = arith.muli %add3A, %mul3A_8 : i32
    "tpu.region"() ({
      %run_scoped3A = tpu.sem_alloc : memref<!tpu.dma_semaphore, #tpu.memory_space<semaphore_mem>>
      %dma_start3A = arith.constant 0 : i32
      %dma_start3A_10 = tpu.memref_slice %arg6[%dma_start3A] : memref<128xf32, #tpu.memory_space<vmem>> -> memref<16xf32, #tpu.memory_space<vmem>>
      %dma_start3A_11 = tpu.memref_slice %arg4[%mul3A_9] : memref<512xf32, #tpu.memory_space<hbm>> -> memref<16xf32, #tpu.memory_space<hbm>>
      %dma_start3A_12 = tpu.memref_slice %arg4[%mul3A_9] : memref<512xf32, #tpu.memory_space<hbm>> -> memref<16xf32, #tpu.memory_space<hbm>>
      %dma_start3A_13 = arith.constant 0 : i32
      %dma_start3A_14 = tpu.memref_slice %arg6[%dma_start3A_13] : memref<128xf32, #tpu.memory_space<vmem>> -> memref<16xf32, #tpu.memory_space<vmem>>
      tpu.enqueue_dma source(%dma_start3A_14 : memref<16xf32, #tpu.memory_space<vmem>>) target(%dma_start3A_12 : memref<16xf32, #tpu.memory_space<hbm>>) target_semaphore(%run_scoped3A : memref<!tpu.dma_semaphore, #tpu.memory_space<semaphore_mem>>)
      %dma_wait3A = arith.constant 0 : i32
      %dma_wait3A_15 = tpu.memref_slice %arg6[%dma_wait3A] : memref<128xf32, #tpu.memory_space<vmem>> -> memref<16xf32, #tpu.memory_space<vmem>>
      %dma_wait3A_16 = tpu.memref_slice %arg4[%mul3A_9] : memref<512xf32, #tpu.memory_space<hbm>> -> memref<16xf32, #tpu.memory_space<hbm>>
      %dma_wait3A_17 = tpu.memref_slice %arg4[%mul3A_9] : memref<512xf32, #tpu.memory_space<hbm>> -> memref<16xf32, #tpu.memory_space<hbm>>
      %dma_wait3A_18 = arith.constant 0 : i32
      %dma_wait3A_19 = tpu.memref_slice %arg6[%dma_wait3A_18] : memref<128xf32, #tpu.memory_space<vmem>> -> memref<16xf32, #tpu.memory_space<vmem>>
      tpu.wait_dma2 semaphore(%run_scoped3A : memref<!tpu.dma_semaphore, #tpu.memory_space<semaphore_mem>>) src(%dma_wait3A_19 : memref<16xf32, #tpu.memory_space<vmem>>) dst(%dma_wait3A_17 : memref<16xf32, #tpu.memory_space<hbm>>)
      tpu.yield
    }) : () -> ()
    return
  }
}

module attributes {stable_mosaic.version = 14 : i64} {
  func.func @_log_mean_body(%arg0: memref<4x128xf32, #tpu.memory_space<vmem>>, %arg1: memref<1x1xf32, #tpu.memory_space<vmem>>) attributes {dimension_semantics = [], scalar_prefetch = 0 : i64, scratch_operands = 0 : i64, tpu.core_type = #tpu.core_type<tc>} {
    %get3A = arith.constant 0 : index
    %get3A_0 = arith.constant 0 : index
    %get3A_1 = vector.load %arg0[%get3A, %get3A_0] : memref<4x128xf32, #tpu.memory_space<vmem>>, vector<4x128xf32>
    %iota3A = tpu.iota {dimensions = array<i32: 1>} : vector<4x128xi32>
    %jit3A = arith.constant 16 : i32
    %eq3A = arith.constant 0 : i32
    %eq3A_2 = arith.cmpi eq, %jit3A, %eq3A : i32
    %jit3A_3 = arith.constant 1 : i32
    %select_n3A = arith.select %eq3A_2, %jit3A_3, %jit3A : i32
    %rem3A = vector.broadcast %select_n3A : i32 to vector<4x128xi32>
    %rem3A_4 = arith.remsi %iota3A, %rem3A : vector<4x128xi32>
    %ne3A = arith.constant 0 : i32
    %ne3A_5 = vector.broadcast %ne3A : i32 to vector<4x128xi32>
    %ne3A_6 = arith.cmpi ne, %rem3A_4, %ne3A_5 : vector<4x128xi32>
    %lt3A = arith.constant 0 : i32
    %lt3A_7 = vector.broadcast %lt3A : i32 to vector<4x128xi32>
    %lt3A_8 = arith.cmpi slt, %rem3A_4, %lt3A_7 : vector<4x128xi32>
    %lt3A_9 = arith.constant 0 : i32
    %lt3A_10 = arith.cmpi slt, %select_n3A, %lt3A_9 : i32
    %ne3A_11 = vector.broadcast %lt3A_10 : i1 to vector<4x128xi1>
    %ne3A_12 = vector.broadcast %ne3A_11 : vector<4x128xi1> to vector<4x128xi1>
    %ne3A_13 = arith.xori %lt3A_8, %ne3A_12 : vector<4x128xi1>
    %and3A = arith.andi %ne3A_13, %ne3A_6 : vector<4x128xi1>
    %add3A = vector.broadcast %select_n3A : i32 to vector<4x128xi32>
    %add3A_14 = arith.addi %rem3A_4, %add3A : vector<4x128xi32>
    %select_n3A_15 = arith.select %and3A, %add3A_14, %rem3A_4 : vector<4x128xi1>, vector<4x128xi32>
    %lt3A_16 = arith.constant 4 : i32
    %lt3A_17 = vector.broadcast %lt3A_16 : i32 to vector<4x128xi32>
    %lt3A_18 = arith.cmpi slt, %select_n3A_15, %lt3A_17 : vector<4x128xi32>
    %add3A_19 = arith.constant 1.000000e-10 : f32
    %add3A_20 = vector.broadcast %add3A_19 : f32 to vector<4x128xf32>
    %add3A_21 = arith.addf %get3A_1, %add3A_20 : vector<4x128xf32>
    %log3A = math.log %add3A_21 : vector<4x128xf32>
    %jit3A_22 = arith.constant 0.000000e+00 : f32
    %broadcast_in_dim3A = vector.broadcast %jit3A_22 : f32 to vector<4x128xf32>
    %select_n3A_23 = arith.select %lt3A_18, %log3A, %broadcast_in_dim3A : vector<4x128xi1>, vector<4x128xf32>
    %reduce_sum3A = vector.shape_cast %select_n3A_23 : vector<4x128xf32> to vector<1x4x128xf32>
    %reduce_sum3A_24 = arith.constant dense<0.000000e+00> : vector<1xf32>
    %reduce_sum3A_25 = vector.multi_reduction <add>, %reduce_sum3A, %reduce_sum3A_24 [1, 2] : vector<1x4x128xf32> to vector<1xf32>
    %reduce_sum3A_26 = vector.shape_cast %reduce_sum3A_25 : vector<1xf32> to vector<1x1x1xf32>
    %reduce_sum3A_27 = vector.extract %reduce_sum3A_26[0, 0, 0] : f32 from vector<1x1x1xf32>
    %div3A = arith.constant 1.280000e+02 : f32
    %div3A_28 = arith.divf %reduce_sum3A_27, %div3A : f32
    %reshape3A = vector.broadcast %div3A_28 : f32 to vector<1x1xf32>
    %swap3A = arith.constant 0 : index
    %swap3A_29 = arith.constant 0 : index
    %swap3A_30 = vector.load %arg1[%swap3A, %swap3A_29] : memref<1x1xf32, #tpu.memory_space<vmem>>, vector<1x1xf32>
    tpu.vector_store %arg1[%swap3A, %swap3A_29], %reshape3A {strides = array<i32>} : memref<1x1xf32, #tpu.memory_space<vmem>>, vector<1x1xf32>,
    return
  }
}

</mosaic_0001>

<sc_bundles>
// kernel: kernel.4.cloned.1.call-start
scs
__scs_entry_jumppad:
0x0: {  	(pc) =	sbr.rel $0x88, $3  }
0x1: {  	(tag) =	ssettag $0x0;
	lr =	simm.s32 $0x1  }
0x2: {  	[smem:$0x3F9F] =	sst lr;
	_ =	strace $0xD0000000  }
0x3: {  	_ = 	snop  }
0x4: {  	_ = 	snop  }
0x5: {  	_ = 	snop  }
0x6: {  	_ = 	snop  }
0x7: {  	_ = 	snop  }
__scs_overlays_trampoline_lowered:
0x8: {  	[smem:$0x3FAE] =	sst s0  }
0x9: {  	[smem:$0x3FAF] =	sst s1  }
0xa: {  	[smem:$0x3FB0] =	sst s2  }
0xb: {  	[smem:$0x3FB1] =	sst s3  }
0xc: {  	[smem:$0x3FB2] =	sst s4  }
0xd: {  	[smem:$0x3FB3] =	sst s5  }
0xe: {  	[smem:$0x3FB4] =	sst s6  }
0xf: {  	[smem:$0x3FB5] =	sst s7  }
0x10: {  	[smem:$0x3FB6] =	sst s8  }
0x11: {  	[smem:$0x3FB7] =	sst s9;
	s0 =	simm.s32 @!p0 $0x0  }
0x12: {  	s1 =	sld [smem:$0x3F9D];
	s0 =	simm.s32 @p0 $0x1  }
0x13: {  	[smem:$0x3FB8] =	sst s0;
	s0 =	simm.s32 @!p1 $0x0  }
0x14: {  	s2 =	sld [smem:$0x3F9C];
	s0 =	simm.s32 @p1 $0x1  }
0x15: {  	[smem:$0x3FB9] =	sst s0;
	s0 =	simm.s32 @!p2 $0x0  }
0x16: {  	s3 =	sld [smem:$0x3FDB];
	s0 =	simm.s32 @p2 $0x1  }
0x17: {  	s4 =	simm.s32 $0x1BF5;
	[smem:$0x3FBB] =	sst s0  }
0x18: {  	s0 =	sld [smem:$0x3F9E];
	_ =	swait.ge [sflag:s4], $0x0  }
0x19: {  	s7 =	sld [smem:$0x3F9F]  }
0x1a: {  	s8 =	sadd.s32 $0xFFFFE003, lr  }
0x1b: {  	s9 =	sadd.s32 $0xFFFFFEF7, lr;
	s5 =	simm.s32 $0xFFFFFFFF;
	p2 =	slt.u32 s8, $0xFFFFF086  }
0x1c: {  	p1 =	slt.u32 s9, $0xF7A;
	s5 =	simm.s32 @!p2 $0x0  }
0x1d: {  	s5 =	simm.s32 @p1 $0x1;
	p0 =	seq.s32 s7, s2  }
0x1e: {  	s7 =	smul.u32 @!p0 $0xF7A, s2;
	p2 =	seq.s32 @!p0 s5, $0x0  }
0x1f: {  	s9 =	smul.u32 $0xF7A, s1;
	s8 =	simm.s32 @!p0 $0x1BF5;
	p2 =	por !p2, p0  }
0x20: {  	[sflag:s8] =	ssyncset.s32 @!p0 $0xFFFFF086;
	s6 =	sadd.s32 @!p0 s3, s7;
	s7 =	simm.s32 @!p0 $0x108  }
0x21: {  	s3 =	sadd.s32 s3, s9;
	s6 =	sadd.s32 @!p0 $0x88, s6;
	s7 =	simm.s32 @p2 $0x1082  }
0x22: {  	[simem:s7], [sflag:s8] =	dma.local @!p0 [hbm:s6], $0xF7A  }
0x23: {  	s9 =	sor.u32 $0xD0000000, s2;
	s6 =	simm.s32 $0x108;
	_ =	swait.ge @!p0 [sflag:s8], $0x0  }
0x24: {  	s3 =	sadd.s32 $0x88, s3;
	s6 =	simm.s32 @!p1 $0x1082;
	[sflag:s4] =	ssyncset.s32 $0xFFFFF086  }
0x25: {  	[simem:s6], [sflag:s4] =	dma.local [hbm:s3], $0xF7A  }
0x26: {  	[smem:$0x3F9F] =	sst s1;
	(tag) =	ssettag s2;
	_ =	strace s9  }
0x27: {  	s1 =	sld [smem:$0x3FAF]  }
0x28: {  	s2 =	sld [smem:$0x3FB0]  }
0x29: {  	s4 =	sld [smem:$0x3FB2]  }
0x2a: {  	p0 =	seq.s32 s5, $0x0;
	s5 =	sld [smem:$0x3FB3]  }
0x2b: {  	s6 =	sld [smem:$0x3FB4]  }
0x2c: {  	s7 =	sld [smem:$0x3FB5]  }
0x2d: {  	s3 =	simm.s32 $0x108;
	s8 =	sld [smem:$0x3FB6]  }
0x2e: {  	s3 =	simm.s32 @!p0 $0x1082;
	s9 =	sld [smem:$0x3FB7]  }
0x2f: {  	lr =	sadd.s32 s0, s3;
	s0 =	sld [smem:$0x3FAE]  }
0x30: {  	s3 =	sld [smem:$0x3FB1]  }
0x31: {  	[smem:$0x3FBA] =	sst s10  }
0x32: {  	s10 =	sld [smem:$0x3FB8];
	_ =	sdelay $0x3  }
0x33: {  	p0 =	seq.s32 s10, $0x1;
	s10 =	sld [smem:$0x3FBA];
	_ =	sdelay $0x3  }
0x34: {  	[smem:$0x3FBA] =	sst s10  }
0x35: {  	s10 =	sld [smem:$0x3FB9];
	_ =	sdelay $0x3  }
0x36: {  	p1 =	seq.s32 s10, $0x1;
	s10 =	sld [smem:$0x3FBA];
	_ =	sdelay $0x3  }
0x37: {  	[smem:$0x3FBA] =	sst s10  }
0x38: {  	s10 =	sld [smem:$0x3FBB]  }
0x39: {  	_ = 	snop;
	(pc) =	sbr.ind lr, $3  }
0x3a: {  	_ = 	snop  }
0x3b: {  	_ = 	snop  }
0x3c: {  	p2 =	seq.s32 s10, $0x1;
	s10 =	sld [smem:$0x3FBA]  }
0x3d: {  	_ =	shalt  }
0x3e: {  	_ =	shalt  }
0x3f: {  	_ =	shalt  }
0x40: {  	_ =	shalt  }
0x41: {  	_ =	shalt  }
0x42: {  	_ =	shalt  }
0x43: {  	_ =	shalt  }
0x44: {  	_ =	shalt  }
0x45: {  	_ =	shalt  }
0x46: {  	_ =	shalt  }
0x47: {  	_ =	shalt  }
0x48: {  	_ =	shalt  }
0x49: {  	_ =	shalt  }
0x4a: {  	_ =	shalt  }
0x4b: {  	_ =	shalt  }
0x4c: {  	_ =	shalt  }
0x4d: {  	_ =	shalt  }
0x4e: {  	_ =	shalt  }
0x4f: {  	_ =	shalt  }
0x50: {  	_ =	shalt  }
0x51: {  	_ =	shalt  }
0x52: {  	_ =	shalt  }
0x53: {  	_ =	shalt  }
0x54: {  	_ =	shalt  }
0x55: {  	_ =	shalt  }
0x56: {  	_ =	shalt  }
0x57: {  	_ =	shalt  }
0x58: {  	_ =	shalt  }
0x59: {  	_ =	shalt  }
0x5a: {  	_ =	shalt  }
0x5b: {  	_ =	shalt  }
0x5c: {  	_ =	shalt  }
0x5d: {  	_ =	shalt  }
0x5e: {  	_ =	shalt  }
0x5f: {  	_ =	shalt  }
0x60: {  	_ =	shalt  }
0x61: {  	_ =	shalt  }
0x62: {  	_ =	shalt  }
0x63: {  	_ =	shalt  }
0x64: {  	_ =	shalt  }
0x65: {  	_ =	shalt  }
0x66: {  	_ =	shalt  }
0x67: {  	_ =	shalt  }
0x68: {  	_ =	shalt  }
0x69: {  	_ =	shalt  }
0x6a: {  	_ =	shalt  }
0x6b: {  	_ =	shalt  }
0x6c: {  	_ =	shalt  }
0x6d: {  	_ =	shalt  }
0x6e: {  	_ =	shalt  }
0x6f: {  	_ =	shalt  }
0x70: {  	_ =	shalt  }
0x71: {  	_ =	shalt  }
0x72: {  	_ =	shalt  }
0x73: {  	_ =	shalt  }
0x74: {  	_ =	shalt  }
0x75: {  	_ =	shalt  }
0x76: {  	_ =	shalt  }
0x77: {  	_ =	shalt  }
0x78: {  	_ =	shalt  }
0x79: {  	_ =	shalt  }
0x7a: {  	_ =	shalt  }
0x7b: {  	_ =	shalt  }
0x7c: {  	_ =	shalt  }
0x7d: {  	_ =	shalt  }
0x7e: {  	_ =	shalt  }
0x7f: {  	_ =	shalt  }
0x80: {  	_ =	shalt  }
0x81: {  	_ =	shalt  }
0x82: {  	_ =	shalt  }
0x83: {  	_ =	shalt  }
0x84: {  	_ =	shalt  }
0x85: {  	_ =	shalt  }
0x86: {  	_ =	shalt  }
0x87: {  	_ =	shalt  }
.Lfunc_end0:
.L_simem_size_0:
called_computation_lowered:
.L_overlay_start_0:
0x88: {  	s2 =	sld [smem:$0x3FD9]  }
0x89: {  	s3 =	sld [smem:$0x3FFE];
	_ =	sdelay $0x1  }
0x8a: {  	s1 =	srdreg.scid  }
0x8b: {  	s0 =	sand.u32 $0x1, s1  }
0x8c: {  	s16 =	sshll.u32 s0, $0xA;
	s2 =	sadd.s32 s3, s2  }
0x8d: {  	s2 =	sadd.s32 s2, s16  }
0x8e: {  	[smem:$0x3FC6] =	sst s2  }
0x8f: {  	_ = 	snop  }
0x90: {  	(tm) =	ssettm $0x1  }
0x91: {  	s17 =	sld [smem:$0x3FFB];
	_ =	sdelay $0x3  }
0x92: {  	_ =	strace s17  }
0x93: {  	s2 =	sld [smem:$0x3FFC];
	_ =	sdelay $0x3  }
0x94: {  	_ =	strace s2  }
0x95: {  	s2 =	sld [smem:$0x3FFD];
	_ =	sdelay $0x3  }
0x96: {  	_ =	strace s2  }
0x97: {  	_ =	strace $0x8FFFFFFF  }
0x98: {  	s18 =	sld [smem:$0x3FDB];
	_ =	sdelay $0x1  }
0x99: {  	s19 =	simm.s32 $_scs_section_size  }
0x9a: {  	s4 =	simm.s32 $_size__tile_overlayer_lowered;
	s5 =	simm.s32 $_tile_overlayer_lowered  }
0x9b: {  	s22 =	simm.s32 $0x1BFF;
	s21 =	sshll.u32 s5, $0x1;
	s2 =	sadd.s32 s19, s18  }
0x9c: {  	s6 =	simm.s32 $0x0;
	s20 =	sshll.u32 s4, $0x1;
	s4 =	sadd.s32 s21, s2  }
0x9d: {  	[timem:s6], [sflag:s22] =	dma.local [hbm:s4], s20  }
0x9e: {  	_ =	swait.ge [sflag:s22], s20  }
0x9f: {  	s3 =	ssub.s32 $0x0, s20;
	[sflag:s22] =	ssyncset.done $0x0  }
0xa0: {  	[sflag:s22] =	ssyncadd.s32 s3;
	_ =	sdelay $0x1  }
0xa1: {  	s23 =	simm.s32 $0x1B8B  }
0xa2: {  	_ =	swait.ge [sflag:s23], $0x1  }
0xa3: {  	[sflag:s23] =	ssyncset.done $0x0  }
0xa4: {  	s25 =	simm.s32 $0x1B8E;
	s24 =	sld [smem:$0x3FFE];
	[sflag:s23] =	ssyncadd.s32 $0xFFFFFFFF  }
0xa5: {  	s26 =	simm.s32 $execute0_lowered;
	[smem:$0x3FD2] =	sst s25  }
0xa6: {  	s4 =	sshll.u32 s26, $0x1;
	_ =	strace $0x80000046;
	[dreg:$0x1] =	wrdreg $0xFFFFFFFF  }
0xa7: {  	s28 =	simm.s32 $_size_execute0_lowered;
	s2 =	sadd.s32 s2, s4;
	[dreg:$0x0] =	wrdreg $0x0  }
0xa8: {  	s4 =	sshll.u32 s28, $0x1;
	[dreg:$0x2] =	wrdreg s2  }
0xa9: {  	[dreg:$0x3] =	wrdreg s4  }
0xaa: {  	[dreg:$0x4] =	wrdreg $0xC0  }
0xab: {  	_ =	task [dreg:s6], $0x5FFFF  }
0xac: {  	[dreg:$0x1] =	wrdreg $0xFFFFFFFF  }
0xad: {  	[dreg:$0x0] =	wrdreg $0x60  }
0xae: {  	[dreg:$0x2] =	wrdreg s24  }
0xaf: {  	[dreg:$0x3] =	wrdreg $0x9  }
0xb0: {  	_ =	task.clear_ibuf [dreg:s6], $0x4FFFF;
	_ =	strace $0x90000046  }
0xb1: {  	s29 =	simm.s32 $0x9;
	_ =	strace $0x80000048  }
0xb2: {  	_ =	swait.ge [sflag:s29], $0x1  }
0xb3: {  	[sflag:s29] =	ssyncadd.s32 $0xFFFFFFFF  }
0xb4: {  	_ =	strace $0x90000048  }
0xb5: {  	_ =	sfence  }
0xb6: {  	s30 =	sld [smem:$0x0];
	_ =	sdelay $0x2  }
0xb7: {  	s31 =	sshll.u32 s1, $0xD;
	s1 =	sshrl.u32 s1, $0x2  }
0xb8: {  	s3 =	sand.u32 $0x4000, s31;
	s1 =	sadd.s32 s1, s30  }
0xb9: {  	s0 =	sor.u32 s3, s0;
	s1 =	sshll.u32 s1, $0x11  }
0xba: {  	s0 =	sor.u32 s1, s0  }
0xbb: {  	s0 =	sadd.s32 $0x8F2B, s0  }
0xbc: {  	[sflag:s0] =	ssyncadd.remote.s32 $0x1  }
0xbd: {  	_ =	sfence.sel $0xFFFF  }
0xbe: {  	[dreg:$0x0] =	wrdreg $0xFFFFFFFF;
	(pc) =	sbr.abs _section_cstart, $3  }
0xbf: {  	[dreg:$0x1] =	wrdreg $0xFFFFFFFF  }
0xc0: {  	_ =	task.clear_ibuf [dreg:s6], $0x2FFFF;
	_ =	strace $0x9FFFFFFF  }
0xc1: {  	(tm) =	ssettm $0x7FFFFFFF  }
tec
execute0_lowered:
.L_overlay_start_1:
0x0: {  	(tag) =	ssettag $0x1  }
0x1: {  	s4 =	rddreg [dreg:$0x0]  }
0x2: {  	s0 =	rddreg [dreg:$0x1];
	s3 =	srdreg.scid  }
0x3: {  	s1 =	stileid.u32;
	s2 =	simm.s32 $0x0;
	s10 =	simm.s32 $0x8000  }
0x4: {  	s11 =	simm.s32 $0x0;
	s5 =	sand.u32 $0x1, s3;
	s30 =	sshll.u32 s1, $0x1  }
0x5: {  	v0 =	vlaneseq.u32;
	[smem:$0x7FF] =	sst s2;
	s3 =	sadd.s32 $0xA00, s4;
	s6 =	sor.u32 s5, s30  }
0x6: {  	v1 =	vor.u32 $0x80000070, v0;
	_ =	strace $0x80000047;
	s8 =	ssub.s32 $0x2, s5;
	s7 =	sshll.u32 s6, $0x1  }
0x7: {  	v2 =	vor.u32 $0x80000060, v0;
	v3 =	vor.u32 $0x80000050, v0;
	v4 =	vor.u32 $0x80000040, v0;
	s9 =	sshrl.u32 s8, $0x1;
	s6 =	sshll.u32 s6, $0x2;
	s7 =	sadd.s32 s7, s4  }
0x8: {  	v5 =	vor.u32 $0x80000030, v0;
	v6 =	vor.u32 $0x80000020, v0;
	s4 =	sadd.s32 $0x600, s4;
	s31 =	ssub.s32 s8, s9;
	s8 =	simm.s32 $0x1  }
0x9: {  	v9 =	vimm.s32 $0x0;
	v7 =	vor.u32 $0x80000010, v0;
	v8 =	vor.u32 $0x80000000, v0;
	s9 =	simm.s32 $0x8080;
	s5 =	sadd.s32 $0x80A00, s7;
	s7 =	smax.u32 s31, $0x1  }
.LBB2_1:
0xa: {  	v10 =	vimm.f32 $0.0e+00;
	s12 =	simm.s32 $0x0  }
.LBB2_2:
0xb: {  	s14 =	sadd.s32 s6, s12  }
0xc: {  	s13 =	sshll.u32 s14, $0xC  }
0xd: {  	s15 =	sadd.s32 s3, s13;
	s13 =	simm.s32 $0x0  }
0xe: {  	[tilespmem:s13], [sflag:$0x1] =	stream.linear.gather [hbm4b:s15+s13], $0x8000, $0x38;
	[tilespmem:$0x8100] =	vst v63  }
0xf: {  	_ =	swait.ge [sflag:s8], $0x8000  }
0x10: {  	s14 =	sshll.u32 s14, $0x3;
	[sflag:s8] =	ssyncset.done $0x0  }
0x11: {  	s14 =	sadd.s32 s4, s14;
	[sflag:s8] =	ssyncadd.s32 $0xFFFF8000  }
0x12: {  	[tilespmem:s9], [sflag:$0x1] =	stream.linear.gather [hbm4b:s14+s13], $0x40, $0x38;
	[tilespmem:$0x8100] =	vst v63  }
0x13: {  	_ =	swait.ge [sflag:s8], $0x40  }
0x14: {  	[sflag:s8] =	ssyncset.done $0x0  }
0x15: {  	s14 =	simm.s32 $0x80;
	[sflag:s8] =	ssyncadd.s32 $0xFFFFFFC0  }
.LBB2_3:
0x16: {  	v11 =	vld [tilespmem:s14+$0xFFFFFF80]  }
0x17: {  	v12 =	vld [tilespmem:s14+$0xFFFFFF90]  }
0x18: {  	v13 =	vld [tilespmem:s14+$0xFFFFFFA0]  }
0x19: {  	v14 =	vld [tilespmem:s14+$0xFFFFFFB0]  }
0x1a: {  	v15 =	vld [tilespmem:s14+$0xFFFFFFC0]  }
0x1b: {  	v16 =	vld [tilespmem:s14+$0xFFFFFFD0]  }
0x1c: {  	v11 =	vmax.f32 v11, v12;
	v12 =	vld [tilespmem:s14+$0xFFFFFFE0]  }
0x1d: {  	v11 =	vmax.f32 v11, v13;
	v13 =	vld [tilespmem:s14+$0xFFFFFFF0]  }
0x1e: {  	v11 =	vmax.f32 v11, v14;
	v14 =	vld [tilespmem:s14+$0x0]  }
0x1f: {  	v11 =	vmax.f32 v11, v15;
	v15 =	vld [tilespmem:s14+$0x10]  }
0x20: {  	v11 =	vmax.f32 v11, v16;
	v16 =	vld [tilespmem:s14+$0x20]  }
0x21: {  	v17 =	vld [tilespmem:s14+$0x30];
	v11 =	vmax.f32 v11, v12  }
0x22: {  	v18 =	vld [tilespmem:s14+$0x40];
	v11 =	vmax.f32 v11, v13  }
0x23: {  	v12 =	vld [tilespmem:s14+$0x50];
	v11 =	vmax.f32 v11, v14  }
0x24: {  	v13 =	vld [tilespmem:s14+$0x60];
	v11 =	vmax.f32 v11, v15  }
0x25: {  	s17 =	sadd.s32 $0x100, s14;
	v14 =	vld [tilespmem:s14+$0x70];
	v11 =	vmax.f32 v11, v16  }
0x26: {  	v15 =	vld [tilespmem:s17+$0xFFFFFF80];
	v16 =	vmax.f32 v11, v17  }
0x27: {  	s15 =	simm.s32 $0x1;
	s18 =	simm.s32 $0x2;
	s16 =	simm.s32 $0x0;
	v11 =	vimm.f32 $0.0e+00;
	v17 =	vld [tilespmem:s17+$0xFFFFFF90];
	v16 =	vmax.f32 v16, v18  }
.LBB2_4:
0x28: {  	p0 =	sne.s32 s18, $0xF;
	v18 =	vld [tilespmem:s17+$0xFFFFFFA0];
	v12 =	vmax.f32 v16, v12  }
0x29: {  	v16 =	vld [tilespmem:s17+$0xFFFFFFB0];
	v12 =	vmax.f32 v12, v13  }
0x2a: {  	v13 =	vld [tilespmem:s17+$0xFFFFFFC0];
	v12 =	vmax.f32 v12, v14  }
0x2b: {  	v14 =	vld [tilespmem:s17+$0xFFFFFFD0];
	(xrf0) =	vmax.scan.msk.f32 $0xffff, v12  }
0x2c: {  	v12 =	vmax.f32 v15, v17;
	v15 =	vld [tilespmem:s17+$0xFFFFFFE0]  }
0x2d: {  	v12 =	vmax.f32 v12, v18;
	v17 =	vld [tilespmem:s17+$0xFFFFFFF0]  }
0x2e: {  	v12 =	vmax.f32 v12, v16;
	v16 =	vld [tilespmem:s17+$0x0]  }
0x2f: {  	v12 =	vmax.f32 v12, v13;
	v13 =	vld [tilespmem:s17+$0x10]  }
0x30: {  	v12 =	vmax.f32 v12, v14;
	v14 =	vld [tilespmem:s17+$0x20]  }
0x31: {  	v12 =	vmax.f32 v12, v15;
	v18 =	vld [tilespmem:s17+$0x30];
	v15, _, _ =	vpop (xrf0)  }
0x32: {  	v12 =	vmax.f32 v12, v17;
	v19 =	vld [tilespmem:s17+$0x40];
	v17 =	vmov s16;
	v15 =	vbroadcast v15, $0xF;
	s16 =	smov.u32 s15;
	s15 =	smov.u32 s18  }
.Ltmp0:
0x33: {  	v16 =	vmax.f32 v12, v16;
	v12 =	vld [tilespmem:s17+$0x50];
	vm0 =	veq.s32 v17, v0;
	(pc) =	sbr.rel @p0 .LBB2_4-.Ltmp0, $4  }
0x34: {  	v16 =	vmax.f32 v16, v13;
	v13 =	vld [tilespmem:s17+$0x60];
	v11 =	vsel vm0, v15, v11  }
0x35: {  	v16 =	vmax.f32 v16, v14;
	v14 =	vld [tilespmem:s17+$0x70];
	s17 =	sadd.s32 $0x100, s17  }
0x36: {  	v15 =	vld [tilespmem:s17+$0xFFFFFF80];
	v16 =	vmax.f32 v16, v18  }
0x37: {  	s18 =	sadd.s32 $0x1, s18;
	v17 =	vld [tilespmem:s17+$0xFFFFFF90];
	v16 =	vmax.f32 v16, v19  }
0x38: {  	v18 =	vld [tilespmem:s17+$0xFFFFFFA0]  }
0x39: {  	v19 =	vld [tilespmem:s17+$0xFFFFFFB0]  }
0x3a: {  	v20 =	vld [tilespmem:s17+$0xFFFFFFC0]  }
0x3b: {  	v21 =	vld [tilespmem:s17+$0xFFFFFFD0]  }
0x3c: {  	v48 =	vld [tilespmem:s17+$0xFFFFFFE0];
	v15 =	vmax.f32 v15, v17  }
0x3d: {  	v49 =	vld [tilespmem:s17+$0xFFFFFFF0];
	v15 =	vmax.f32 v15, v18  }
0x3e: {  	v50 =	vld [tilespmem:s17+$0x0];
	v15 =	vmax.f32 v15, v19  }
0x3f: {  	v51 =	vld [tilespmem:s17+$0x10];
	v15 =	vmax.f32 v15, v20  }
0x40: {  	v52 =	vld [tilespmem:s17+$0x20];
	v15 =	vmax.f32 v15, v21  }
0x41: {  	v53 =	vld [tilespmem:s17+$0x30];
	v15 =	vmax.f32 v15, v48  }
0x42: {  	v54 =	vld [tilespmem:s17+$0x40];
	v15 =	vmax.f32 v15, v49  }
0x43: {  	v55 =	vld [tilespmem:s17+$0x50];
	v15 =	vmax.f32 v15, v50  }
0x44: {  	v56 =	vld [tilespmem:s17+$0x60];
	v15 =	vmax.f32 v15, v51  }
0x45: {  	v57 =	vld [tilespmem:s17+$0x70];
	v15 =	vmax.f32 v15, v52  }
0x46: {  	v15 =	vmax.f32 v15, v53  }
0x47: {  	v12 =	vmax.f32 v16, v12;
	v15 =	vmax.f32 v15, v54  }
0x48: {  	v12 =	vmax.f32 v12, v13;
	v58 =	vmax.f32 v15, v55  }
0x49: {  	v12 =	vmax.f32 v12, v14;
	v13 =	vmax.f32 v58, v56  }
0x4a: {  	(xrf0) =	vmax.scan.msk.f32 $0xffff, v12;
	v59 =	vmax.f32 v13, v57  }
0x4b: {  	(xrf0) =	vmax.scan.msk.f32 $0xffff, v59;
	_ =	sdelay $0x3  }
0x4c: {  	s31 =	sshll.u32 s13, $0x4;
	s13 =	sadd.s32 $0x1, s13  }
0x4d: {  	p0 =	sne.s32 s13, $0x8;
	v60, _, _ =	vpop (xrf0)  }
.Ltmp1:
0x4e: {  	v61 =	vmov s16;
	v12 =	vbroadcast v60, $0xF;
	v62, _, _ =	vpop (xrf0);
	(pc) =	sbr.rel @p0 .LBB2_3-.Ltmp1, $4  }
0x4f: {  	v63 =	vmov s15;
	vm0 =	veq.s32 v61, v0;
	v14 =	vbroadcast v62, $0xF  }
0x50: {  	vm15 =	veq.s32 v63, v0;
	v11 =	vsel vm0, v12, v11  }
0x51: {  	s15 =	sand.u32 $0x3FFFFFF0, s31;
	v11 =	vsel vm15, v14, v11  }
0x52: {  	s14 =	sadd.s32 $0x1000, s14;
	[tilespmem:s15+$0x8000] =	vst v11  }
0x53: {  	s13 =	simm.s32 $0x0;
	v11 =	vimm.f32 $0.0e+00  }
.LBB2_7:
0x54: {  	v13 =	vld [tilespmem:$0x8000]  }
0x55: {  	v14 =	vld [tilespmem:$0x8010]  }
0x56: {  	v15 =	vld [tilespmem:$0x8020]  }
0x57: {  	v16 =	vld [tilespmem:$0x8030]  }
0x58: {  	v17 =	vld [tilespmem:$0x8040]  }
0x59: {  	v18 =	vld [tilespmem:$0x8050]  }
0x5a: {  	v19 =	vld [tilespmem:$0x8060];
	v12 =	vmax.f32 v13, v14  }
0x5b: {  	v20 =	vld [tilespmem:$0x8070];
	v12 =	vmax.f32 v12, v15  }
0x5c: {  	v12 =	vmax.f32 v12, v16  }
0x5d: {  	v12 =	vmax.f32 v12, v17  }
0x5e: {  	v12 =	vmax.f32 v12, v18  }
0x5f: {  	v12 =	vmax.f32 v12, v19  }
0x60: {  	v12 =	vmax.f32 v12, v20  }
0x61: {  	(xrf0) =	vmax.scan.msk.f32 $0xffff, v12;
	_ =	sdelay $0x5  }
0x62: {  	v12, _, _ =	vpop (xrf0)  }
0x63: {  	v12 =	vbroadcast v12, $0xF;
	_ =	sdelay $0x1  }
0x64: {  	vm0 =	veq.f32 v20, v12  }
0x65: {  	vm1 =	veq.f32 v19, v12;
	v62 =	vnsel vm0, $0x80000080, v1  }
0x66: {  	vm9 =	veq.f32 v18, v12;
	v63 =	vsel vm1, v2, v62  }
0x67: {  	vm10 =	veq.f32 v17, v12;
	v21 =	vsel vm9, v3, v63  }
0x68: {  	vm11 =	veq.f32 v16, v12;
	v22 =	vsel vm10, v4, v21  }
0x69: {  	vm12 =	veq.f32 v15, v12;
	v23 =	vsel vm11, v5, v22  }
0x6a: {  	vm13 =	veq.f32 v14, v12;
	v24 =	vsel vm12, v6, v23  }
0x6b: {  	vm14 =	veq.f32 v13, v12;
	v25 =	vsel vm13, v7, v24  }
0x6c: {  	v13 =	vsel vm14, v8, v25  }
0x6d: {  	(xrf0) =	vmin.scan.msk.u32 $0xffff, v13;
	_ =	sdelay $0x5  }
0x6e: {  	v13, _, _ =	vpop (xrf0)  }
0x6f: {  	(v2sf) =	vpush v13, $0xF;
	_ =	sdelay $0xe  }
0x70: {  	s15 =	spop (v2sf)  }
0x71: {  	s14 =	sshll.u32 s15, $0xA  }
0x72: {  	s14 =	sshra.s32 s14, $0x2  }
0x73: {  	v26 =	vld [tilespmem:s14+$0x0]  }
0x74: {  	v27 =	vld [tilespmem:s14+$0x10]  }
0x75: {  	v28 =	vld [tilespmem:s14+$0x20]  }
0x76: {  	v29 =	vld [tilespmem:s14+$0x30]  }
0x77: {  	v30 =	vld [tilespmem:s14+$0x40]  }
0x78: {  	v33 =	vld [tilespmem:s14+$0x50]  }
0x79: {  	v35 =	vld [tilespmem:s14+$0x60]  }
0x7a: {  	v23 =	vld [tilespmem:s14+$0x70]  }
0x7b: {  	v37 =	vld [tilespmem:s14+$0x80]  }
0x7c: {  	v25 =	vld [tilespmem:s14+$0x90];
	_ =	sdelay $0x1  }
0x7d: {  	vm15 =	veq.f32 v26, v12;
	vm4 =	veq.f32 v27, v12  }
0x7e: {  	vm5 =	veq.f32 v28, v12;
	vm6 =	veq.f32 v29, v12;
	vm7 =	veq.f32 v30, v12  }
0x7f: {  	vm8 =	veq.f32 v33, v12;
	vm9 =	veq.f32 v35, v12;
	vm10 =	veq.f32 v23, v12  }
0x80: {  	vm11 =	veq.f32 v37, v12;
	vm12 =	veq.f32 v25, v12;
	v31 =	vsel vm15, $0x1, v9  }
0x81: {  	v13 =	vsel vm15, $0xFF800000, v26;
	v32 =	vsel vm4, $0x1, v9;
	v14 =	vsel vm4, $0xFF800000, v27  }
0x82: {  	v45 =	vld [tilespmem:s14+$0xF0];
	v21 =	vsel vm5, $0x1, v9;
	v15 =	vsel vm5, $0xFF800000, v28;
	v22 =	vsel vm6, $0x1, v9  }
0x83: {  	v16 =	vsel vm6, $0xFF800000, v29;
	v36 =	vsel vm7, $0x1, v9;
	v17 =	vsel vm7, $0xFF800000, v30;
	v26 =	vld [tilespmem:s14+$0xA0]  }
0x84: {  	v24 =	vsel vm8, $0x1, v9;
	v19 =	vsel vm8, $0xFF800000, v33;
	v38 =	vsel vm9, $0x1, v9;
	v27 =	vld [tilespmem:s14+$0xB0]  }
0x85: {  	v39 =	vsel vm10, $0x1, v9;
	v23 =	vsel vm10, $0xFF800000, v23;
	v40 =	vsel vm11, $0x1, v9;
	v28 =	vld [tilespmem:s14+$0xC0]  }
0x86: {  	v41 =	vsel vm12, $0x1, v9;
	v29 =	vld [tilespmem:s14+$0xD0];
	v42 =	vsel vm12, $0xFF800000, v25;
	v18 =	vadd.s32 v32, v31  }
0x87: {  	v30 =	vld [tilespmem:s14+$0xE0];
	vm6 =	veq.f32 v45, v12;
	v34 =	vmax.f32 v13, v14;
	v18 =	vadd.s32 v21, v18  }
0x88: {  	v25 =	vsel vm6, $0xFF800000, v45;
	v20 =	vmax.f32 v34, v15;
	v18 =	vadd.s32 v22, v18  }
0x89: {  	v21 =	vsel vm9, $0xFF800000, v35;
	v20 =	vmax.f32 v20, v16;
	v18 =	vadd.s32 v36, v18  }
0x8a: {  	v22 =	vsel vm11, $0xFF800000, v37;
	v20 =	vmax.f32 v20, v17;
	v18 =	vadd.s32 v24, v18  }
0x8b: {  	v20 =	vmax.f32 v20, v19;
	vm13 =	veq.f32 v26, v12;
	vm14 =	veq.f32 v27, v12  }
0x8c: {  	vm15 =	veq.f32 v28, v12;
	vm4 =	veq.f32 v29, v12;
	vm5 =	veq.f32 v30, v12  }
0x8d: {  	v18 =	vadd.s32 v38, v18;
	v20 =	vmax.f32 v20, v21;
	v43 =	vsel vm13, $0x1, v9  }
0x8e: {  	v44 =	vsel vm14, $0x1, v9;
	v26 =	vsel vm13, $0xFF800000, v26;
	v20 =	vmax.f32 v20, v23  }
0x8f: {  	v27 =	vsel vm14, $0xFF800000, v27;
	v18 =	vadd.s32 v39, v18;
	v20 =	vmax.f32 v20, v22  }
0x90: {  	v31 =	vsel vm15, $0x1, v9;
	v18 =	vadd.s32 v40, v18;
	v20 =	vmax.f32 v20, v42  }
0x91: {  	v46 =	vsel vm4, $0x1, v9;
	v18 =	vadd.s32 v41, v18;
	v20 =	vmax.f32 v20, v26  }
0x92: {  	v28 =	vsel vm15, $0xFF800000, v28;
	v18 =	vadd.s32 v43, v18;
	v20 =	vmax.f32 v20, v27  }
0x93: {  	v29 =	vsel vm4, $0xFF800000, v29;
	v18 =	vadd.s32 v44, v18;
	v20 =	vmax.f32 v20, v28  }
0x94: {  	v30 =	vsel vm5, $0xFF800000, v30;
	v18 =	vadd.s32 v31, v18;
	v20 =	vmax.f32 v20, v29  }
0x95: {  	[tilespmem:s14+$0x0] =	vst v13;
	v47 =	vsel vm5, $0x1, v9;
	v18 =	vadd.s32 v46, v18;
	v20 =	vmax.f32 v20, v30  }
0x96: {  	[tilespmem:s14+$0x10] =	vst v14;
	v48 =	vsel vm6, $0x1, v9;
	v13 =	vadd.s32 v47, v18;
	v49 =	vmax.f32 v20, v25  }
0x97: {  	[tilespmem:s14+$0x20] =	vst v15;
	v13 =	vadd.s32 v48, v13;
	(xrf0) =	vmax.scan.msk.f32 $0xffff, v49  }
0x98: {  	[tilespmem:s14+$0x30] =	vst v16;
	(xrf0) =	vadd.scan.msk.s32 $0xffff, v13  }
0x99: {  	[tilespmem:s14+$0x40] =	vst v17  }
0x9a: {  	[tilespmem:s14+$0x50] =	vst v19  }
0x9b: {  	[tilespmem:s14+$0x70] =	vst v23  }
0x9c: {  	[tilespmem:s14+$0x90] =	vst v42  }
0x9d: {  	s16 =	sxor.u32 $0x80000000, s15;
	[tilespmem:s14+$0xF0] =	vst v25;
	v50, _, _ =	vpop (xrf0)  }
0x9e: {  	p1 =	sgt.s32 s15, $0xFFFFFFFF;
	s15 =	sand.u32 $0xF, s15;
	p0 =	slt.s32 s16, $0x1;
	[tilespmem:s14+$0x60] =	vst v21;
	v51, _, _ =	vpop (xrf0)  }
0x9f: {  	s17 =	sshra.s32 s16, $0x1F;
	p6 =	sne.s32 s15, $0x0;
	p0 =	por p1, p0;
	[tilespmem:s14+$0x80] =	vst v22;
	(v2sf) =	vpush v51, $0xF  }
0xa0: {  	s24 =	sshrl.u32 s17, $0x1C;
	p0 =	por !p6, !p0;
	[tilespmem:s14+$0xA0] =	vst v26  }
0xa1: {  	s17 =	simm.s32 $0x1;
	s15 =	sadd.s32 s24, s16;
	p0 =	por !p0, !p0;
	[tilespmem:s14+$0xB0] =	vst v27  }
0xa2: {  	s15 =	sshrl.u32 s15, $0x4;
	s17 =	simm.s32 @!p0 $0x0;
	[tilespmem:s14+$0xC0] =	vst v28  }
0xa3: {  	s15 =	ssub.s32 s15, s17;
	[tilespmem:s14+$0xD0] =	vst v29  }
0xa4: {  	s25 =	sshll.u32 s15, $0x4;
	[tilespmem:s14+$0xE0] =	vst v30  }
0xa5: {  	v53 =	vadd.s32 s13, v0;
	v52 =	vld [tilespmem:s25+$0x8000]  }
0xa6: {  	s26 =	sadd.s32 $0x10, s13;
	vm7 =	vlt.s32 v53, $0x7F  }
0xa7: {  	v54 =	vadd.s32 s26, v0;
	s16 =	ssub.s32 s16, s25;
	v15 =	vnsel vm7, $0x7F, v53  }
0xa8: {  	s28 =	sadd.s32 $0x20, s13;
	vm8 =	vlt.s32 v54, $0x7F;
	v55 =	vmov s16;
	v13 =	vbroadcast v50, $0xF  }
0xa9: {  	v56 =	vadd.s32 s28, v0;
	vm9 =	veq.s32 v55, v0;
	v16 =	vnsel vm8, $0x7F, v54  }
0xaa: {  	s29 =	sadd.s32 $0x30, s13;
	vm10 =	vlt.s32 v56, $0x7F;
	v13 =	vsel vm9, v13, v52  }
0xab: {  	v58 =	vadd.s32 s29, v0;
	v57 =	vnsel vm10, $0x7F, v56;
	[tilespmem:s25+$0x8000] =	vst v13  }
0xac: {  	vm11 =	vlt.s32 v58, $0x7F;
	v15 =	vld.idx.msk [tilespmem:v15+s9+$0x0], $0xffff  }
0xad: {  	v14 =	vnsel vm11, $0x7F, v58  }
0xae: {  	s15 =	ssub.s32 $0x40, s13;
	v16 =	vld.idx.msk [tilespmem:v16+s9+$0x0], $0xffff;
	s14 =	spop (v2sf)  }
0xaf: {  	p0 =	slt.s32 s14, s15  }
0xb0: {  	v13 =	vld.idx.msk [tilespmem:v57+s9+$0x0], $0xffff;
	s15 =	smov.u32 @p0 s14  }
0xb1: {  	v15 =	vmul.f32 v15, v12;
	v59 =	vmov s15  }
0xb2: {  	v14 =	vld.idx.msk [tilespmem:v14+s9+$0x0], $0xffff;
	s14 =	sadd.s32 $0xFFFFFFF0, s15;
	vm12 =	vgt.s32 v59, v0  }
0xb3: {  	v16 =	vmul.f32 v16, v12;
	v60 =	vmov s14;
	v15 =	vnsel vm12, $0x0, v15  }
0xb4: {  	s30 =	sadd.s32 $0xFFFFFFE0, s15;
	s13 =	sadd.s32 s13, s15;
	vm13 =	vgt.s32 v60, v0;
	v11 =	vadd.f32 v15, v11  }
0xb5: {  	v13 =	vmul.f32 v13, v12;
	v62 =	vmov s30;
	p0 =	slt.s32 s13, $0x40;
	v61 =	vnsel vm13, $0x0, v16  }
.Ltmp2:
0xb6: {  	s31 =	sadd.s32 $0xFFFFFFD0, s15;
	vm14 =	vgt.s32 v62, v0;
	v11 =	vadd.f32 v61, v11;
	(pc) =	sbr.rel @p0 .LBB2_7-.Ltmp2, $4  }
0xb7: {  	v12 =	vmul.f32 v14, v12;
	v63 =	vmov s31;
	v13 =	vnsel vm14, $0x0, v13  }
0xb8: {  	vm15 =	vgt.s32 v63, v0;
	v11 =	vadd.f32 v11, v13  }
0xb9: {  	v12 =	vnsel vm15, $0x0, v12  }
0xba: {  	v11 =	vadd.f32 v11, v12  }
0xbb: {  	_ = 	snop  }
0xbc: {  	(xrf2) =	vadd.scan.msk.f32 $0xffff, v11;
	_ =	sdelay $0x6  }
0xbd: {  	v11 =	vmov s12;
	s12 =	sadd.s32 $0x1, s12  }
0xbe: {  	p0 =	sne.s32 s12, $0x4  }
.Ltmp3:
0xbf: {  	_ = 	snop;
	(pc) =	sbr.rel @p0 .LBB2_2-.Ltmp3, $4  }
0xc0: {  	v12, _, _ =	vpop (xrf2)  }
0xc1: {  	v12 =	vbroadcast v12, $0xF  }
0xc2: {  	vm0 =	veq.s32 v11, v0  }
0xc3: {  	v10 =	vsel vm0, v12, v10  }
0xc4: {  	s11 =	sadd.s32 $0x1, s11  }
0xc5: {  	p0 =	sne.s32 s11, s7  }
.Ltmp4:
0xc6: {  	[tilespmem:$0x8000] =	vst v10;
	(pc) =	sbr.rel @p0 .LBB2_1-.Ltmp4, $4  }
0xc7: {  	[hbm4b:s5+s2] =	stream.linear.scatter [tilespmem:s10], [sflag:$0x1], $0x10, $0x38;
	[tilespmem:$0x8100] =	vst v63  }
0xc8: {  	_ =	swait.ge [sflag:s8], $0x10  }
0xc9: {  	[sflag:s8] =	ssyncset.done $0x0  }
0xca: {  	[sflag:s8] =	ssyncadd.s32 $0xFFFFFFF0  }
0xcb: {  	_ =	sfence.sel $0x180000  }
0xcc: {  	[bflag:$0x0] =	sbarrier.arrive $0xFFFF  }
0xcd: {  	p0 =	sne.s32 s1, $0x0;
	_ =	strace $0x90000047  }
0xce: {  	s0 =	sadd.s32 @!p0 $0x100000, s0;
	[bflag:$0x2] =	sbarrier.arrive $0xFFFF  }
0xcf: {  	[sflag:s0] =	ssyncadd.tile.s32 @!p0 $0x1;
	_ =	shalt  }
.Lfunc_end2:
_tile_overlayer_lowered:
.L_overlay_start_2:
0xd0: {  	(tag) =	ssettag $0x2  }
0xd1: {  	s0 =	rddreg [dreg:$0x0];
	s2 =	stileid.u32  }
0xd2: {  	s1 =	rddreg [dreg:$0x1];
	p0 =	sne.s32 s2, $0x0  }
0xd3: {  	s3 =	rddreg [dreg:$0x2];
	[bflag:$0x3] =	sbarrier.arrive $0xFFFF;
	s2 =	simm.s32 @!p0 $0x1C01  }
0xd4: {  	[timem:s3], [sflag:s2] =	dma.local @!p0 [hbm:s0], s1  }
0xd5: {  	s0 =	simm.s32 @!p0 $0x1  }
0xd6: {  	_ =	swait.ge @!p0 [sflag:s0], s1  }
0xd7: {  	s1 =	ssub.s32 @!p0 $0x0, s1;
	[sflag:s0] =	ssyncset.done @!p0 $0x0  }
0xd8: {  	[sflag:s0] =	ssyncadd.s32 @!p0 s1  }
0xd9: {  	[bflag:$0x3] =	sbarrier.arrive $0xFFFF  }
0xda: {  	_ =	shalt  }

</sc_bundles>
